<compile_context>
chip_gen: v7x
topology: tpu7x:2x2x1
jax: 0.10.2.dev20260603
libtpu: 0.0.44.dev20260713+nightly
codegen_flags: <defaults>
</compile_context>

<pallas_src>
import functools

import jax
import jax.numpy as jnp
from jax import lax
from jax.experimental import pallas as pl
from jax.experimental.pallas import tpu as pltpu
from jax.experimental.pallas import tpu_sc as plsc

NUM_NODES = 100000
EMB = 32
N_EDGES = 1600000
NC, NS, L = 2, 16, 16
HALF = NUM_NODES // NC
ACC_ROWS = 50176
TRASH = HALF
CHUNK = 512
STREAM = 128
NCHUNK = 200
EPW = NCHUNK * CHUNK
E_PAD = NS * EPW
TBL_ROWS = NUM_NODES + 8
ZROWS = 392
OUT_CH = 400
OUT_NCH = HALF // OUT_CH


def _propagate(x_pad, rowp, colp, out_rows):
    mesh = plsc.VectorSubcoreMesh(core_axis_name="c", subcore_axis_name="s")

    @functools.partial(
        pl.kernel,
        out_type=jax.ShapeDtypeStruct((out_rows, EMB), jnp.float32),
        mesh=mesh,
        scratch_types=[
            pltpu.VMEM((CHUNK // STREAM, STREAM), jnp.int32),
            pltpu.VMEM((CHUNK // STREAM, STREAM), jnp.int32),
            pltpu.VMEM((CHUNK // STREAM, STREAM), jnp.int32),
            pltpu.VMEM((CHUNK, EMB), jnp.float32),
            pltpu.VMEM_SHARED((ACC_ROWS, EMB), jnp.float32),
        ],
        compiler_params=pltpu.CompilerParams(use_tc_tiling_on_sc=False),
    )
    def k(x_hbm, row_hbm, col_hbm, out_hbm, dst_v, src_v, lidx_v, rows_v,
          acc):
        c = lax.axis_index("c")
        s = lax.axis_index("s")
        base = c * HALF

        @pl.loop(0, CHUNK)
        def _(r):
            @pl.loop(0, EMB, step=L)
            def _(h):
                rows_v[r, pl.ds(h, L)] = jnp.zeros((L,), jnp.float32)

        span = ACC_ROWS // NS

        @pl.loop(0, span // ZROWS)
        def _(t):
            pltpu.sync_copy(rows_v.at[pl.ds(0, ZROWS)],
                            acc.at[pl.ds(s * span + t * ZROWS, ZROWS)])

        plsc.subcore_barrier()

        for dst_hbm, src_hbm in ((row_hbm, col_hbm), (col_hbm, row_hbm)):
            @pl.loop(0, NCHUNK)
            def _(ch):
                r0 = s * (EPW // STREAM) + ch * (CHUNK // STREAM)
                pltpu.sync_copy(dst_hbm.at[pl.ds(r0, CHUNK // STREAM)], dst_v)
                pltpu.sync_copy(src_hbm.at[pl.ds(r0, CHUNK // STREAM)], src_v)

                @pl.loop(0, CHUNK // STREAM)
                def _(i):
                    @pl.loop(0, STREAM, step=L)
                    def _(j):
                        d = dst_v[i, pl.ds(j, L)]
                        lu = (d - base).astype(jnp.uint32)
                        lidx_v[i, pl.ds(j, L)] = jnp.minimum(
                            lu, jnp.uint32(TRASH)).astype(jnp.int32)

                @pl.loop(0, CHUNK // STREAM)
                def _(i):
                    rows = rows_v.at[pl.ds(i * STREAM, STREAM)]
                    pltpu.sync_copy(x_hbm.at[src_v.at[i]], rows)
                    pltpu.sync_copy(rows, acc.at[lidx_v.at[i]], add=True)

        plsc.subcore_barrier()

        @pl.loop(0, (OUT_NCH + NS - 1) // NS)
        def _(t):
            u = s + t * NS

            @pl.when(u < OUT_NCH)
            def _():
                lo = u * OUT_CH
                pltpu.sync_copy(acc.at[pl.ds(lo, OUT_CH)],
                                rows_v.at[pl.ds(0, OUT_CH)])

                @pl.loop(0, OUT_CH)
                def _(r):
                    @pl.loop(0, EMB, step=L)
                    def _(h):
                        rows_v[r, pl.ds(h, L)] = rows_v[r, pl.ds(h, L)] * 0.5

                pltpu.sync_copy(rows_v.at[pl.ds(0, OUT_CH)],
                                out_hbm.at[pl.ds(base + lo, OUT_CH)])

        if out_rows > NUM_NODES:
            @pl.when(jnp.logical_and(c == NC - 1, s == NS - 1))
            def _():
                npad = out_rows - NUM_NODES

                @pl.loop(0, npad)
                def _(r):
                    @pl.loop(0, EMB, step=L)
                    def _(h):
                        rows_v[r, pl.ds(h, L)] = jnp.zeros((L,), jnp.float32)

                pltpu.sync_copy(rows_v.at[pl.ds(0, npad)],
                                out_hbm.at[pl.ds(NUM_NODES, npad)])

    return k(x_pad, rowp, colp)


def kernel(edge_index, user_embedding, item_embedding):
    row = edge_index[0].astype(jnp.int32)
    col = edge_index[1].astype(jnp.int32)
    pad = jnp.full((E_PAD - N_EDGES,), NUM_NODES, dtype=jnp.int32)
    rowp = jnp.concatenate([row, pad]).reshape(E_PAD // STREAM, STREAM)
    colp = jnp.concatenate([col, pad]).reshape(E_PAD // STREAM, STREAM)
    x0 = jnp.concatenate([
        user_embedding, item_embedding,
        jnp.zeros((TBL_ROWS - NUM_NODES, EMB), jnp.float32)])
    y1 = _propagate(x0, rowp, colp, TBL_ROWS)
    return _propagate(y1, rowp, colp, NUM_NODES)

# --- scband reference (transcript-rebuilt; emitter-appended) ---
"""Pipeline reference for scband-light-gcn-26036091748913 (READ-ONLY COPY).

The authoritative reference and input builder live on the scoring server;
editing this copy changes nothing except your own understanding.
"""

import jax, jax.numpy as jnp
import numpy as np

NUM_USERS = 50000
NUM_ITEMS = 50000
EMB_DIM = 32
N_EDGES = 1600000
N_NODES = NUM_USERS + NUM_ITEMS


def setup_inputs(seed: int = 0) -> dict:
    key = jax.random.key(seed)
    k1, k2, k3 = jax.random.split(key, 3)
    # xavier_uniform scale for Embedding weight [num, dim]
    bound_u = float(np.sqrt(6.0 / (NUM_USERS + EMB_DIM)))
    bound_i = float(np.sqrt(6.0 / (NUM_ITEMS + EMB_DIM)))
    user_embedding = jax.random.uniform(k1, (NUM_USERS, EMB_DIM), dtype=jnp.float32, minval=-bound_u, maxval=bound_u)
    item_embedding = jax.random.uniform(k2, (NUM_ITEMS, EMB_DIM), dtype=jnp.float32, minval=-bound_i, maxval=bound_i)
    edge_index = jax.random.randint(k3, (2, N_EDGES), 0, N_NODES, dtype=jnp.int64 if jax.config.jax_enable_x64 else jnp.int32)
    return {"edge_index": edge_index, "user_embedding": user_embedding, "item_embedding": item_embedding}


def reference(edge_index, user_embedding, item_embedding):
    row = edge_index[0]
    col = edge_index[1]
    x = jnp.concatenate([user_embedding, item_embedding], axis=0)
    for _ in range(2):
        # propagate: symmetric scatter-add of neighbor embeddings, then /2
        x_agg = jnp.zeros_like(x)
        x_agg = x_agg.at[row].add(x[col])
        x_agg = x_agg.at[col].add(x[row])
        x = x_agg / 2.0
    return x

if __name__ == "__main__":
    import jax
    _d = setup_inputs()
    print(jax.jit(kernel)(*tuple(_d.values())))

</pallas_src>

<mosaic_0001>
#map = affine_map<(d0, d1) -> (0, 0)>
module attributes {stable_mosaic.version = 14 : i64} {
  func.func @k(%arg0: i32, %arg1: i32, %arg2: memref<100008x32xf32, #tpu.memory_space<hbm>>, %arg3: memref<12800x128xi32, #tpu.memory_space<hbm>>, %arg4: memref<12800x128xi32, #tpu.memory_space<hbm>>, %arg5: memref<100000x32xf32, #tpu.memory_space<hbm>>, %arg6: memref<4x128xi32, #tpu.memory_space<vmem>>, %arg7: memref<4x128xi32, #tpu.memory_space<vmem>>, %arg8: memref<4x128xi32, #tpu.memory_space<vmem>>, %arg9: memref<512x32xf32, #tpu.memory_space<vmem>>, %arg10: memref<50176x32xf32, #tpu.memory_space<vmem_shared>>) attributes {dimension_semantics = [#tpu.dimension_semantics<core_parallel>, #tpu.dimension_semantics<subcore_parallel>], iteration_bounds = array<i64: 2, 16>, scalar_prefetch = 0 : i64, scratch_operands = 5 : i64, tpu.core_type = #tpu.core_type<sc_vector_subcore>, window_params = [{transform_indices = #map}, {transform_indices = #map}, {transform_indices = #map}, {transform_indices = #map}]} {
    %mul3A = arith.constant 50000 : i32
    %mul3A_0 = arith.muli %arg0, %mul3A : i32
    %scan3A = arith.constant 0 : i32
    %scan3A_1 = arith.constant 512 : i32
    %scan3A_2 = arith.addi %scan3A, %scan3A_1 : i32
    %scan3A_3 = arith.constant 1 : i32
    scf.for %scan3A_26 = %scan3A to %scan3A_2 step %scan3A_3  : i32 {
      %mul3A_27 = arith.constant 1 : i32
      %mul3A_28 = arith.muli %scan3A_26, %mul3A_27 : i32
      %add3A = arith.constant 0 : i32
      %add3A_29 = arith.addi %add3A, %mul3A_28 : i32
      %scan3A_30 = arith.constant 0 : i32
      %scan3A_31 = arith.constant 2 : i32
      %scan3A_32 = arith.addi %scan3A_30, %scan3A_31 : i32
      %scan3A_33 = arith.constant 1 : i32
      scf.for %scan3A_35 = %scan3A_30 to %scan3A_32 step %scan3A_33  : i32 {
        %mul3A_36 = arith.constant 16 : i32
        %mul3A_37 = arith.muli %scan3A_35, %mul3A_36 : i32
        %add3A_38 = arith.constant 0 : i32
        %add3A_39 = arith.addi %add3A_38, %mul3A_37 : i32
        %broadcast_in_dim3A = arith.constant 0.000000e+00 : f32
        %broadcast_in_dim3A_40 = vector.broadcast %broadcast_in_dim3A : f32 to vector<16xf32>
        %swap3A = arith.index_cast %add3A_29 : i32 to index
        %swap3A_41 = arith.index_cast %add3A_39 : i32 to index
        %swap3A_42 = tpu.vector_load %arg9[%swap3A, %swap3A_41] {strides = array<i32>} : memref<512x32xf32, #tpu.memory_space<vmem>>, vector<1x16xf32>,
        %swap3A_43 = vector.shape_cast %swap3A_42 : vector<1x16xf32> to vector<16xf32>
        %swap3A_44 = vector.shape_cast %broadcast_in_dim3A_40 : vector<16xf32> to vector<1x16xf32>
        tpu.vector_store %arg9[%swap3A, %swap3A_41], %swap3A_44 {strides = array<i32>} : memref<512x32xf32, #tpu.memory_space<vmem>>, vector<1x16xf32>,
      }
      %scan3A_34 = arith.constant 2 : i32
    }
    %scan3A_4 = arith.constant 512 : i32
    %scan3A_5 = arith.constant 0 : i32
    %scan3A_6 = arith.constant 8 : i32
    %scan3A_7 = arith.addi %scan3A_5, %scan3A_6 : i32
    %scan3A_8 = arith.constant 1 : i32
    scf.for %scan3A_26 = %scan3A_5 to %scan3A_7 step %scan3A_8  : i32 {
      %mul3A_27 = arith.constant 1 : i32
      %mul3A_28 = arith.muli %scan3A_26, %mul3A_27 : i32
      %add3A = arith.constant 0 : i32
      %add3A_29 = arith.addi %add3A, %mul3A_28 : i32
      %mul3A_30 = arith.constant 3136 : i32
      %mul3A_31 = arith.muli %arg1, %mul3A_30 : i32
      %mul3A_32 = arith.constant 392 : i32
      %mul3A_33 = arith.muli %add3A_29, %mul3A_32 : i32
      %add3A_34 = arith.addi %mul3A_31, %mul3A_33 : i32
      "tpu.region"() ({
        %run_scoped3A = tpu.sem_alloc : memref<!tpu.dma_semaphore, #tpu.memory_space<semaphore_mem>>
        %dma_start3A = arith.constant 0 : i32
        %dma_start3A_35 = arith.constant 0 : i32
        %dma_start3A_36 = tpu.memref_slice %arg9[%dma_start3A, %dma_start3A_35] : memref<512x32xf32, #tpu.memory_space<vmem>> -> memref<392x32xf32, #tpu.memory_space<vmem>>
        %dma_start3A_37 = arith.constant 0 : i32
        %dma_start3A_38 = tpu.memref_slice %arg10[%add3A_34, %dma_start3A_37] : memref<50176x32xf32, #tpu.memory_space<vmem_shared>> -> memref<392x32xf32, #tpu.memory_space<vmem_shared>>
        %dma_start3A_39 = arith.constant 0 : i32
        %dma_start3A_40 = tpu.memref_slice %arg10[%add3A_34, %dma_start3A_39] : memref<50176x32xf32, #tpu.memory_space<vmem_shared>> -> memref<392x32xf32, #tpu.memory_space<vmem_shared>>
        %dma_start3A_41 = arith.constant 0 : i32
        %dma_start3A_42 = arith.constant 0 : i32
        %dma_start3A_43 = tpu.memref_slice %arg9[%dma_start3A_41, %dma_start3A_42] : memref<512x32xf32, #tpu.memory_space<vmem>> -> memref<392x32xf32, #tpu.memory_space<vmem>>
        tpu.enqueue_dma source(%dma_start3A_43 : memref<392x32xf32, #tpu.memory_space<vmem>>) target(%dma_start3A_40 : memref<392x32xf32, #tpu.memory_space<vmem_shared>>) target_semaphore(%run_scoped3A : memref<!tpu.dma_semaphore, #tpu.memory_space<semaphore_mem>>)
        %dma_wait3A = arith.constant 0 : i32
        %dma_wait3A_44 = arith.constant 0 : i32
        %dma_wait3A_45 = tpu.memref_slice %arg9[%dma_wait3A, %dma_wait3A_44] : memref<512x32xf32, #tpu.memory_space<vmem>> -> memref<392x32xf32, #tpu.memory_space<vmem>>
        %dma_wait3A_46 = arith.constant 0 : i32
        %dma_wait3A_47 = tpu.memref_slice %arg10[%add3A_34, %dma_wait3A_46] : memref<50176x32xf32, #tpu.memory_space<vmem_shared>> -> memref<392x32xf32, #tpu.memory_space<vmem_shared>>
        %dma_wait3A_48 = arith.constant 0 : i32
        %dma_wait3A_49 = tpu.memref_slice %arg10[%add3A_34, %dma_wait3A_48] : memref<50176x32xf32, #tpu.memory_space<vmem_shared>> -> memref<392x32xf32, #tpu.memory_space<vmem_shared>>
        %dma_wait3A_50 = arith.constant 0 : i32
        %dma_wait3A_51 = arith.constant 0 : i32
        %dma_wait3A_52 = tpu.memref_slice %arg9[%dma_wait3A_50, %dma_wait3A_51] : memref<512x32xf32, #tpu.memory_space<vmem>> -> memref<392x32xf32, #tpu.memory_space<vmem>>
        tpu.wait_dma2 semaphore(%run_scoped3A : memref<!tpu.dma_semaphore, #tpu.memory_space<semaphore_mem>>) src(%dma_wait3A_52 : memref<392x32xf32, #tpu.memory_space<vmem>>) dst(%dma_wait3A_49 : memref<392x32xf32, #tpu.memory_space<vmem_shared>>)
        tpu.yield
      }) : () -> ()
    }
    %scan3A_9 = arith.constant 8 : i32
    %barrier3A = arith.constant 0 : index
    tpu.barrier barrier_id(%barrier3A)
    %scan3A_10 = arith.constant 0 : i32
    %scan3A_11 = arith.constant 200 : i32
    %scan3A_12 = arith.addi %scan3A_10, %scan3A_11 : i32
    %scan3A_13 = arith.constant 1 : i32
    scf.for %scan3A_26 = %scan3A_10 to %scan3A_12 step %scan3A_13  : i32 {
      %mul3A_27 = arith.constant 1 : i32
      %mul3A_28 = arith.muli %scan3A_26, %mul3A_27 : i32
      %add3A = arith.constant 0 : i32
      %add3A_29 = arith.addi %add3A, %mul3A_28 : i32
      %mul3A_30 = arith.constant 800 : i32
      %mul3A_31 = arith.muli %arg1, %mul3A_30 : i32
      %mul3A_32 = arith.constant 4 : i32
      %mul3A_33 = arith.muli %add3A_29, %mul3A_32 : i32
      %add3A_34 = arith.addi %mul3A_31, %mul3A_33 : i32
      "tpu.region"() ({
        %run_scoped3A = tpu.sem_alloc : memref<!tpu.dma_semaphore, #tpu.memory_space<semaphore_mem>>
        %dma_start3A = arith.constant 0 : i32
        %dma_start3A_45 = tpu.memref_slice %arg3[%add3A_34, %dma_start3A] : memref<12800x128xi32, #tpu.memory_space<hbm>> -> memref<4x128xi32, #tpu.memory_space<hbm>>
        %dma_start3A_46 = arith.constant 0 : i32
        %dma_start3A_47 = tpu.memref_slice %arg3[%add3A_34, %dma_start3A_46] : memref<12800x128xi32, #tpu.memory_space<hbm>> -> memref<4x128xi32, #tpu.memory_space<hbm>>
        tpu.enqueue_dma source(%dma_start3A_47 : memref<4x128xi32, #tpu.memory_space<hbm>>) target(%arg6 : memref<4x128xi32, #tpu.memory_space<vmem>>) target_semaphore(%run_scoped3A : memref<!tpu.dma_semaphore, #tpu.memory_space<semaphore_mem>>)
        %dma_wait3A = arith.constant 0 : i32
        %dma_wait3A_48 = tpu.memref_slice %arg3[%add3A_34, %dma_wait3A] : memref<12800x128xi32, #tpu.memory_space<hbm>> -> memref<4x128xi32, #tpu.memory_space<hbm>>
        %dma_wait3A_49 = arith.constant 0 : i32
        %dma_wait3A_50 = tpu.memref_slice %arg3[%add3A_34, %dma_wait3A_49] : memref<12800x128xi32, #tpu.memory_space<hbm>> -> memref<4x128xi32, #tpu.memory_space<hbm>>
        tpu.wait_dma2 semaphore(%run_scoped3A : memref<!tpu.dma_semaphore, #tpu.memory_space<semaphore_mem>>) src(%dma_wait3A_50 : memref<4x128xi32, #tpu.memory_space<hbm>>) dst(%arg6 : memref<4x128xi32, #tpu.memory_space<vmem>>)
        tpu.yield
      }) : () -> ()
      "tpu.region"() ({
        %run_scoped3A = tpu.sem_alloc : memref<!tpu.dma_semaphore, #tpu.memory_space<semaphore_mem>>
        %dma_start3A = arith.constant 0 : i32
        %dma_start3A_45 = tpu.memref_slice %arg4[%add3A_34, %dma_start3A] : memref<12800x128xi32, #tpu.memory_space<hbm>> -> memref<4x128xi32, #tpu.memory_space<hbm>>
        %dma_start3A_46 = arith.constant 0 : i32
        %dma_start3A_47 = tpu.memref_slice %arg4[%add3A_34, %dma_start3A_46] : memref<12800x128xi32, #tpu.memory_space<hbm>> -> memref<4x128xi32, #tpu.memory_space<hbm>>
        tpu.enqueue_dma source(%dma_start3A_47 : memref<4x128xi32, #tpu.memory_space<hbm>>) target(%arg7 : memref<4x128xi32, #tpu.memory_space<vmem>>) target_semaphore(%run_scoped3A : memref<!tpu.dma_semaphore, #tpu.memory_space<semaphore_mem>>)
        %dma_wait3A = arith.constant 0 : i32
        %dma_wait3A_48 = tpu.memref_slice %arg4[%add3A_34, %dma_wait3A] : memref<12800x128xi32, #tpu.memory_space<hbm>> -> memref<4x128xi32, #tpu.memory_space<hbm>>
        %dma_wait3A_49 = arith.constant 0 : i32
        %dma_wait3A_50 = tpu.memref_slice %arg4[%add3A_34, %dma_wait3A_49] : memref<12800x128xi32, #tpu.memory_space<hbm>> -> memref<4x128xi32, #tpu.memory_space<hbm>>
        tpu.wait_dma2 semaphore(%run_scoped3A : memref<!tpu.dma_semaphore, #tpu.memory_space<semaphore_mem>>) src(%dma_wait3A_50 : memref<4x128xi32, #tpu.memory_space<hbm>>) dst(%arg7 : memref<4x128xi32, #tpu.memory_space<vmem>>)
        tpu.yield
      }) : () -> ()
      %scan3A_35 = arith.constant 0 : i32
      %scan3A_36 = arith.constant 4 : i32
      %scan3A_37 = arith.addi %scan3A_35, %scan3A_36 : i32
      %scan3A_38 = arith.constant 1 : i32
      scf.for %scan3A_45 = %scan3A_35 to %scan3A_37 step %scan3A_38  : i32 {
        %mul3A_46 = arith.constant 1 : i32
        %mul3A_47 = arith.muli %scan3A_45, %mul3A_46 : i32
        %add3A_48 = arith.constant 0 : i32
        %add3A_49 = arith.addi %add3A_48, %mul3A_47 : i32
        %scan3A_50 = arith.constant 0 : i32
        %scan3A_51 = arith.constant 8 : i32
        %scan3A_52 = arith.addi %scan3A_50, %scan3A_51 : i32
        %scan3A_53 = arith.constant 1 : i32
        scf.for %scan3A_55 = %scan3A_50 to %scan3A_52 step %scan3A_53  : i32 {
          %mul3A_56 = arith.constant 16 : i32
          %mul3A_57 = arith.muli %scan3A_55, %mul3A_56 : i32
          %add3A_58 = arith.constant 0 : i32
          %add3A_59 = arith.addi %add3A_58, %mul3A_57 : i32
          %get3A = arith.index_cast %add3A_49 : i32 to index
          %get3A_60 = arith.index_cast %add3A_59 : i32 to index
          %get3A_61 = tpu.vector_load %arg6[%get3A, %get3A_60] {strides = array<i32>} : memref<4x128xi32, #tpu.memory_space<vmem>>, vector<1x16xi32>,
          %get3A_62 = vector.shape_cast %get3A_61 : vector<1x16xi32> to vector<16xi32>
          %sub3A = vector.broadcast %mul3A_0 : i32 to vector<16xi32>
          %sub3A_63 = arith.subi %get3A_62, %sub3A : vector<16xi32>
          %min3A = arith.constant 50000 : i32
          %min3A_64 = vector.broadcast %min3A : i32 to vector<16xi32>
          %min3A_65 = arith.minui %sub3A_63, %min3A_64 : vector<16xi32>
          %swap3A = arith.index_cast %add3A_49 : i32 to index
          %swap3A_66 = arith.index_cast %add3A_59 : i32 to index
          %swap3A_67 = tpu.vector_load %arg8[%swap3A, %swap3A_66] {strides = array<i32>} : memref<4x128xi32, #tpu.memory_space<vmem>>, vector<1x16xi32>,
          %swap3A_68 = vector.shape_cast %swap3A_67 : vector<1x16xi32> to vector<16xi32>
          %swap3A_69 = vector.shape_cast %min3A_65 : vector<16xi32> to vector<1x16xi32>
          tpu.vector_store %arg8[%swap3A, %swap3A_66], %swap3A_69 {strides = array<i32>} : memref<4x128xi32, #tpu.memory_space<vmem>>, vector<1x16xi32>,
        }
        %scan3A_54 = arith.constant 8 : i32
      }
      %scan3A_39 = arith.constant 4 : i32
      %scan3A_40 = arith.constant 0 : i32
      %scan3A_41 = arith.constant 4 : i32
      %scan3A_42 = arith.addi %scan3A_40, %scan3A_41 : i32
      %scan3A_43 = arith.constant 1 : i32
      scf.for %scan3A_45 = %scan3A_40 to %scan3A_42 step %scan3A_43  : i32 {
        %mul3A_46 = arith.constant 1 : i32
        %mul3A_47 = arith.muli %scan3A_45, %mul3A_46 : i32
        %add3A_48 = arith.constant 0 : i32
        %add3A_49 = arith.addi %add3A_48, %mul3A_47 : i32
        %mul3A_50 = arith.constant 128 : i32
        %mul3A_51 = arith.muli %add3A_49, %mul3A_50 : i32
        "tpu.region"() ({
          %run_scoped3A = tpu.sem_alloc : memref<!tpu.dma_semaphore, #tpu.memory_space<semaphore_mem>>
          %dma_start3A = arith.constant 0 : i32
          %dma_start3A_52 = tpu.memref_slice %arg9[%mul3A_51, %dma_start3A] : memref<512x32xf32, #tpu.memory_space<vmem>> -> memref<128x32xf32, #tpu.memory_space<vmem>>
          %dma_start3A_53 = arith.constant 0 : i32
          %dma_start3A_54 = tpu.memref_slice %arg7[%add3A_49, %dma_start3A_53] : memref<4x128xi32, #tpu.memory_space<vmem>> -> memref<1x128xi32, #tpu.memory_space<vmem>>
          %dma_start3A_55 = tpu.memref_squeeze %dma_start3A_54 : memref<1x128xi32, #tpu.memory_space<vmem>> -> memref<128xi32, #tpu.memory_space<vmem>>
          %dma_start3A_56 = arith.constant 0 : i32
          %dma_start3A_57 = arith.constant 0 : i32
          %dma_start3A_58 = tpu.memref_slice %arg2[%dma_start3A_56, %dma_start3A_57] : memref<100008x32xf32, #tpu.memory_space<hbm>> -> memref<100008x32xf32, #tpu.memory_space<hbm>>
          tpu.enqueue_indirect_dma source(%dma_start3A_58 : memref<100008x32xf32, #tpu.memory_space<hbm>>) target(%dma_start3A_52 : memref<128x32xf32, #tpu.memory_space<vmem>>) offsets(%dma_start3A_55 : memref<128xi32, #tpu.memory_space<vmem>>) semaphore(%run_scoped3A : memref<!tpu.dma_semaphore, #tpu.memory_space<semaphore_mem>>)
          %dma_wait3A = arith.constant 0 : i32
          %dma_wait3A_59 = tpu.memref_slice %arg9[%mul3A_51, %dma_wait3A] : memref<512x32xf32, #tpu.memory_space<vmem>> -> memref<128x32xf32, #tpu.memory_space<vmem>>
          %dma_wait3A_60 = arith.constant 0 : i32
          %dma_wait3A_61 = tpu.memref_slice %arg7[%add3A_49, %dma_wait3A_60] : memref<4x128xi32, #tpu.memory_space<vmem>> -> memref<1x128xi32, #tpu.memory_space<vmem>>
          %dma_wait3A_62 = tpu.memref_squeeze %dma_wait3A_61 : memref<1x128xi32, #tpu.memory_space<vmem>> -> memref<128xi32, #tpu.memory_space<vmem>>
          %dma_wait3A_63 = arith.constant 0 : i32
          %dma_wait3A_64 = arith.constant 0 : i32
          %dma_wait3A_65 = tpu.memref_slice %arg2[%dma_wait3A_63, %dma_wait3A_64] : memref<100008x32xf32, #tpu.memory_space<hbm>> -> memref<100008x32xf32, #tpu.memory_space<hbm>>
          tpu.wait_indirect_dma semaphore(%run_scoped3A : memref<!tpu.dma_semaphore, #tpu.memory_space<semaphore_mem>>) src(%dma_wait3A_65 : memref<100008x32xf32, #tpu.memory_space<hbm>>) dst(%dma_wait3A_59 : memref<128x32xf32, #tpu.memory_space<vmem>>)
          tpu.yield
        }) : () -> ()
        "tpu.region"() ({
          %run_scoped3A = tpu.sem_alloc : memref<!tpu.dma_semaphore, #tpu.memory_space<semaphore_mem>>
          %dma_start3A = arith.constant 0 : i32
          %dma_start3A_52 = tpu.memref_slice %arg9[%mul3A_51, %dma_start3A] : memref<512x32xf32, #tpu.memory_space<vmem>> -> memref<128x32xf32, #tpu.memory_space<vmem>>
          %dma_start3A_53 = arith.constant 0 : i32
          %dma_start3A_54 = tpu.memref_slice %arg8[%add3A_49, %dma_start3A_53] : memref<4x128xi32, #tpu.memory_space<vmem>> -> memref<1x128xi32, #tpu.memory_space<vmem>>
          %dma_start3A_55 = tpu.memref_squeeze %dma_start3A_54 : memref<1x128xi32, #tpu.memory_space<vmem>> -> memref<128xi32, #tpu.memory_space<vmem>>
          %dma_start3A_56 = arith.constant 0 : i32
          %dma_start3A_57 = arith.constant 0 : i32
          %dma_start3A_58 = tpu.memref_slice %arg10[%dma_start3A_56, %dma_start3A_57] : memref<50176x32xf32, #tpu.memory_space<vmem_shared>> -> memref<50176x32xf32, #tpu.memory_space<vmem_shared>>
          tpu.enqueue_indirect_dma source(%dma_start3A_52 : memref<128x32xf32, #tpu.memory_space<vmem>>) target(%dma_start3A_58 : memref<50176x32xf32, #tpu.memory_space<vmem_shared>>) offsets(%dma_start3A_55 : memref<128xi32, #tpu.memory_space<vmem>>) semaphore(%run_scoped3A : memref<!tpu.dma_semaphore, #tpu.memory_space<semaphore_mem>>) {add = true}
          %dma_wait3A = arith.constant 0 : i32
          %dma_wait3A_59 = tpu.memref_slice %arg9[%mul3A_51, %dma_wait3A] : memref<512x32xf32, #tpu.memory_space<vmem>> -> memref<128x32xf32, #tpu.memory_space<vmem>>
          %dma_wait3A_60 = arith.constant 0 : i32
          %dma_wait3A_61 = tpu.memref_slice %arg8[%add3A_49, %dma_wait3A_60] : memref<4x128xi32, #tpu.memory_space<vmem>> -> memref<1x128xi32, #tpu.memory_space<vmem>>
          %dma_wait3A_62 = tpu.memref_squeeze %dma_wait3A_61 : memref<1x128xi32, #tpu.memory_space<vmem>> -> memref<128xi32, #tpu.memory_space<vmem>>
          %dma_wait3A_63 = arith.constant 0 : i32
          %dma_wait3A_64 = arith.constant 0 : i32
          %dma_wait3A_65 = tpu.memref_slice %arg10[%dma_wait3A_63, %dma_wait3A_64] : memref<50176x32xf32, #tpu.memory_space<vmem_shared>> -> memref<50176x32xf32, #tpu.memory_space<vmem_shared>>
          tpu.wait_indirect_dma semaphore(%run_scoped3A : memref<!tpu.dma_semaphore, #tpu.memory_space<semaphore_mem>>) src(%dma_wait3A_59 : memref<128x32xf32, #tpu.memory_space<vmem>>) dst(%dma_wait3A_65 : memref<50176x32xf32, #tpu.memory_space<vmem_shared>>)
          tpu.yield
        }) : () -> ()
      }
      %scan3A_44 = arith.constant 4 : i32
    }
    %scan3A_14 = arith.constant 200 : i32
    %scan3A_15 = arith.constant 0 : i32
    %scan3A_16 = arith.constant 200 : i32
    %scan3A_17 = arith.addi %scan3A_15, %scan3A_16 : i32
    %scan3A_18 = arith.constant 1 : i32
    scf.for %scan3A_26 = %scan3A_15 to %scan3A_17 step %scan3A_18  : i32 {
      %mul3A_27 = arith.constant 1 : i32
      %mul3A_28 = arith.muli %scan3A_26, %mul3A_27 : i32
      %add3A = arith.constant 0 : i32
      %add3A_29 = arith.addi %add3A, %mul3A_28 : i32
      %mul3A_30 = arith.constant 800 : i32
      %mul3A_31 = arith.muli %arg1, %mul3A_30 : i32
      %mul3A_32 = arith.constant 4 : i32
      %mul3A_33 = arith.muli %add3A_29, %mul3A_32 : i32
      %add3A_34 = arith.addi %mul3A_31, %mul3A_33 : i32
      "tpu.region"() ({
        %run_scoped3A = tpu.sem_alloc : memref<!tpu.dma_semaphore, #tpu.memory_space<semaphore_mem>>
        %dma_start3A = arith.constant 0 : i32
        %dma_start3A_45 = tpu.memref_slice %arg4[%add3A_34, %dma_start3A] : memref<12800x128xi32, #tpu.memory_space<hbm>> -> memref<4x128xi32, #tpu.memory_space<hbm>>
        %dma_start3A_46 = arith.constant 0 : i32
        %dma_start3A_47 = tpu.memref_slice %arg4[%add3A_34, %dma_start3A_46] : memref<12800x128xi32, #tpu.memory_space<hbm>> -> memref<4x128xi32, #tpu.memory_space<hbm>>
        tpu.enqueue_dma source(%dma_start3A_47 : memref<4x128xi32, #tpu.memory_space<hbm>>) target(%arg6 : memref<4x128xi32, #tpu.memory_space<vmem>>) target_semaphore(%run_scoped3A : memref<!tpu.dma_semaphore, #tpu.memory_space<semaphore_mem>>)
        %dma_wait3A = arith.constant 0 : i32
        %dma_wait3A_48 = tpu.memref_slice %arg4[%add3A_34, %dma_wait3A] : memref<12800x128xi32, #tpu.memory_space<hbm>> -> memref<4x128xi32, #tpu.memory_space<hbm>>
        %dma_wait3A_49 = arith.constant 0 : i32
        %dma_wait3A_50 = tpu.memref_slice %arg4[%add3A_34, %dma_wait3A_49] : memref<12800x128xi32, #tpu.memory_space<hbm>> -> memref<4x128xi32, #tpu.memory_space<hbm>>
        tpu.wait_dma2 semaphore(%run_scoped3A : memref<!tpu.dma_semaphore, #tpu.memory_space<semaphore_mem>>) src(%dma_wait3A_50 : memref<4x128xi32, #tpu.memory_space<hbm>>) dst(%arg6 : memref<4x128xi32, #tpu.memory_space<vmem>>)
        tpu.yield
      }) : () -> ()
      "tpu.region"() ({
        %run_scoped3A = tpu.sem_alloc : memref<!tpu.dma_semaphore, #tpu.memory_space<semaphore_mem>>
        %dma_start3A = arith.constant 0 : i32
        %dma_start3A_45 = tpu.memref_slice %arg3[%add3A_34, %dma_start3A] : memref<12800x128xi32, #tpu.memory_space<hbm>> -> memref<4x128xi32, #tpu.memory_space<hbm>>
        %dma_start3A_46 = arith.constant 0 : i32
        %dma_start3A_47 = tpu.memref_slice %arg3[%add3A_34, %dma_start3A_46] : memref<12800x128xi32, #tpu.memory_space<hbm>> -> memref<4x128xi32, #tpu.memory_space<hbm>>
        tpu.enqueue_dma source(%dma_start3A_47 : memref<4x128xi32, #tpu.memory_space<hbm>>) target(%arg7 : memref<4x128xi32, #tpu.memory_space<vmem>>) target_semaphore(%run_scoped3A : memref<!tpu.dma_semaphore, #tpu.memory_space<semaphore_mem>>)
        %dma_wait3A = arith.constant 0 : i32
        %dma_wait3A_48 = tpu.memref_slice %arg3[%add3A_34, %dma_wait3A] : memref<12800x128xi32, #tpu.memory_space<hbm>> -> memref<4x128xi32, #tpu.memory_space<hbm>>
        %dma_wait3A_49 = arith.constant 0 : i32
        %dma_wait3A_50 = tpu.memref_slice %arg3[%add3A_34, %dma_wait3A_49] : memref<12800x128xi32, #tpu.memory_space<hbm>> -> memref<4x128xi32, #tpu.memory_space<hbm>>
        tpu.wait_dma2 semaphore(%run_scoped3A : memref<!tpu.dma_semaphore, #tpu.memory_space<semaphore_mem>>) src(%dma_wait3A_50 : memref<4x128xi32, #tpu.memory_space<hbm>>) dst(%arg7 : memref<4x128xi32, #tpu.memory_space<vmem>>)
        tpu.yield
      }) : () -> ()
      %scan3A_35 = arith.constant 0 : i32
      %scan3A_36 = arith.constant 4 : i32
      %scan3A_37 = arith.addi %scan3A_35, %scan3A_36 : i32
      %scan3A_38 = arith.constant 1 : i32
      scf.for %scan3A_45 = %scan3A_35 to %scan3A_37 step %scan3A_38  : i32 {
        %mul3A_46 = arith.constant 1 : i32
        %mul3A_47 = arith.muli %scan3A_45, %mul3A_46 : i32
        %add3A_48 = arith.constant 0 : i32
        %add3A_49 = arith.addi %add3A_48, %mul3A_47 : i32
        %scan3A_50 = arith.constant 0 : i32
        %scan3A_51 = arith.constant 8 : i32
        %scan3A_52 = arith.addi %scan3A_50, %scan3A_51 : i32
        %scan3A_53 = arith.constant 1 : i32
        scf.for %scan3A_55 = %scan3A_50 to %scan3A_52 step %scan3A_53  : i32 {
          %mul3A_56 = arith.constant 16 : i32
          %mul3A_57 = arith.muli %scan3A_55, %mul3A_56 : i32
          %add3A_58 = arith.constant 0 : i32
          %add3A_59 = arith.addi %add3A_58, %mul3A_57 : i32
          %get3A = arith.index_cast %add3A_49 : i32 to index
          %get3A_60 = arith.index_cast %add3A_59 : i32 to index
          %get3A_61 = tpu.vector_load %arg6[%get3A, %get3A_60] {strides = array<i32>} : memref<4x128xi32, #tpu.memory_space<vmem>>, vector<1x16xi32>,
          %get3A_62 = vector.shape_cast %get3A_61 : vector<1x16xi32> to vector<16xi32>
          %sub3A = vector.broadcast %mul3A_0 : i32 to vector<16xi32>
          %sub3A_63 = arith.subi %get3A_62, %sub3A : vector<16xi32>
          %min3A = arith.constant 50000 : i32
          %min3A_64 = vector.broadcast %min3A : i32 to vector<16xi32>
          %min3A_65 = arith.minui %sub3A_63, %min3A_64 : vector<16xi32>
          %swap3A = arith.index_cast %add3A_49 : i32 to index
          %swap3A_66 = arith.index_cast %add3A_59 : i32 to index
          %swap3A_67 = tpu.vector_load %arg8[%swap3A, %swap3A_66] {strides = array<i32>} : memref<4x128xi32, #tpu.memory_space<vmem>>, vector<1x16xi32>,
          %swap3A_68 = vector.shape_cast %swap3A_67 : vector<1x16xi32> to vector<16xi32>
          %swap3A_69 = vector.shape_cast %min3A_65 : vector<16xi32> to vector<1x16xi32>
          tpu.vector_store %arg8[%swap3A, %swap3A_66], %swap3A_69 {strides = array<i32>} : memref<4x128xi32, #tpu.memory_space<vmem>>, vector<1x16xi32>,
        }
        %scan3A_54 = arith.constant 8 : i32
      }
      %scan3A_39 = arith.constant 4 : i32
      %scan3A_40 = arith.constant 0 : i32
      %scan3A_41 = arith.constant 4 : i32
      %scan3A_42 = arith.addi %scan3A_40, %scan3A_41 : i32
      %scan3A_43 = arith.constant 1 : i32
      scf.for %scan3A_45 = %scan3A_40 to %scan3A_42 step %scan3A_43  : i32 {
        %mul3A_46 = arith.constant 1 : i32
        %mul3A_47 = arith.muli %scan3A_45, %mul3A_46 : i32
        %add3A_48 = arith.constant 0 : i32
        %add3A_49 = arith.addi %add3A_48, %mul3A_47 : i32
        %mul3A_50 = arith.constant 128 : i32
        %mul3A_51 = arith.muli %add3A_49, %mul3A_50 : i32
        "tpu.region"() ({
          %run_scoped3A = tpu.sem_alloc : memref<!tpu.dma_semaphore, #tpu.memory_space<semaphore_mem>>
          %dma_start3A = arith.constant 0 : i32
          %dma_start3A_52 = tpu.memref_slice %arg9[%mul3A_51, %dma_start3A] : memref<512x32xf32, #tpu.memory_space<vmem>> -> memref<128x32xf32, #tpu.memory_space<vmem>>
          %dma_start3A_53 = arith.constant 0 : i32
          %dma_start3A_54 = tpu.memref_slice %arg7[%add3A_49, %dma_start3A_53] : memref<4x128xi32, #tpu.memory_space<vmem>> -> memref<1x128xi32, #tpu.memory_space<vmem>>
          %dma_start3A_55 = tpu.memref_squeeze %dma_start3A_54 : memref<1x128xi32, #tpu.memory_space<vmem>> -> memref<128xi32, #tpu.memory_space<vmem>>
          %dma_start3A_56 = arith.constant 0 : i32
          %dma_start3A_57 = arith.constant 0 : i32
          %dma_start3A_58 = tpu.memref_slice %arg2[%dma_start3A_56, %dma_start3A_57] : memref<100008x32xf32, #tpu.memory_space<hbm>> -> memref<100008x32xf32, #tpu.memory_space<hbm>>
          tpu.enqueue_indirect_dma source(%dma_start3A_58 : memref<100008x32xf32, #tpu.memory_space<hbm>>) target(%dma_start3A_52 : memref<128x32xf32, #tpu.memory_space<vmem>>) offsets(%dma_start3A_55 : memref<128xi32, #tpu.memory_space<vmem>>) semaphore(%run_scoped3A : memref<!tpu.dma_semaphore, #tpu.memory_space<semaphore_mem>>)
          %dma_wait3A = arith.constant 0 : i32
          %dma_wait3A_59 = tpu.memref_slice %arg9[%mul3A_51, %dma_wait3A] : memref<512x32xf32, #tpu.memory_space<vmem>> -> memref<128x32xf32, #tpu.memory_space<vmem>>
          %dma_wait3A_60 = arith.constant 0 : i32
          %dma_wait3A_61 = tpu.memref_slice %arg7[%add3A_49, %dma_wait3A_60] : memref<4x128xi32, #tpu.memory_space<vmem>> -> memref<1x128xi32, #tpu.memory_space<vmem>>
          %dma_wait3A_62 = tpu.memref_squeeze %dma_wait3A_61 : memref<1x128xi32, #tpu.memory_space<vmem>> -> memref<128xi32, #tpu.memory_space<vmem>>
          %dma_wait3A_63 = arith.constant 0 : i32
          %dma_wait3A_64 = arith.constant 0 : i32
          %dma_wait3A_65 = tpu.memref_slice %arg2[%dma_wait3A_63, %dma_wait3A_64] : memref<100008x32xf32, #tpu.memory_space<hbm>> -> memref<100008x32xf32, #tpu.memory_space<hbm>>
          tpu.wait_indirect_dma semaphore(%run_scoped3A : memref<!tpu.dma_semaphore, #tpu.memory_space<semaphore_mem>>) src(%dma_wait3A_65 : memref<100008x32xf32, #tpu.memory_space<hbm>>) dst(%dma_wait3A_59 : memref<128x32xf32, #tpu.memory_space<vmem>>)
          tpu.yield
        }) : () -> ()
        "tpu.region"() ({
          %run_scoped3A = tpu.sem_alloc : memref<!tpu.dma_semaphore, #tpu.memory_space<semaphore_mem>>
          %dma_start3A = arith.constant 0 : i32
          %dma_start3A_52 = tpu.memref_slice %arg9[%mul3A_51, %dma_start3A] : memref<512x32xf32, #tpu.memory_space<vmem>> -> memref<128x32xf32, #tpu.memory_space<vmem>>
          %dma_start3A_53 = arith.constant 0 : i32
          %dma_start3A_54 = tpu.memref_slice %arg8[%add3A_49, %dma_start3A_53] : memref<4x128xi32, #tpu.memory_space<vmem>> -> memref<1x128xi32, #tpu.memory_space<vmem>>
          %dma_start3A_55 = tpu.memref_squeeze %dma_start3A_54 : memref<1x128xi32, #tpu.memory_space<vmem>> -> memref<128xi32, #tpu.memory_space<vmem>>
          %dma_start3A_56 = arith.constant 0 : i32
          %dma_start3A_57 = arith.constant 0 : i32
          %dma_start3A_58 = tpu.memref_slice %arg10[%dma_start3A_56, %dma_start3A_57] : memref<50176x32xf32, #tpu.memory_space<vmem_shared>> -> memref<50176x32xf32, #tpu.memory_space<vmem_shared>>
          tpu.enqueue_indirect_dma source(%dma_start3A_52 : memref<128x32xf32, #tpu.memory_space<vmem>>) target(%dma_start3A_58 : memref<50176x32xf32, #tpu.memory_space<vmem_shared>>) offsets(%dma_start3A_55 : memref<128xi32, #tpu.memory_space<vmem>>) semaphore(%run_scoped3A : memref<!tpu.dma_semaphore, #tpu.memory_space<semaphore_mem>>) {add = true}
          %dma_wait3A = arith.constant 0 : i32
          %dma_wait3A_59 = tpu.memref_slice %arg9[%mul3A_51, %dma_wait3A] : memref<512x32xf32, #tpu.memory_space<vmem>> -> memref<128x32xf32, #tpu.memory_space<vmem>>
          %dma_wait3A_60 = arith.constant 0 : i32
          %dma_wait3A_61 = tpu.memref_slice %arg8[%add3A_49, %dma_wait3A_60] : memref<4x128xi32, #tpu.memory_space<vmem>> -> memref<1x128xi32, #tpu.memory_space<vmem>>
          %dma_wait3A_62 = tpu.memref_squeeze %dma_wait3A_61 : memref<1x128xi32, #tpu.memory_space<vmem>> -> memref<128xi32, #tpu.memory_space<vmem>>
          %dma_wait3A_63 = arith.constant 0 : i32
          %dma_wait3A_64 = arith.constant 0 : i32
          %dma_wait3A_65 = tpu.memref_slice %arg10[%dma_wait3A_63, %dma_wait3A_64] : memref<50176x32xf32, #tpu.memory_space<vmem_shared>> -> memref<50176x32xf32, #tpu.memory_space<vmem_shared>>
          tpu.wait_indirect_dma semaphore(%run_scoped3A : memref<!tpu.dma_semaphore, #tpu.memory_space<semaphore_mem>>) src(%dma_wait3A_59 : memref<128x32xf32, #tpu.memory_space<vmem>>) dst(%dma_wait3A_65 : memref<50176x32xf32, #tpu.memory_space<vmem_shared>>)
          tpu.yield
        }) : () -> ()
      }
      %scan3A_44 = arith.constant 4 : i32
    }
    %scan3A_19 = arith.constant 200 : i32
    %barrier3A_20 = arith.constant 0 : index
    tpu.barrier barrier_id(%barrier3A_20)
    %scan3A_21 = arith.constant 0 : i32
    %scan3A_22 = arith.constant 8 : i32
    %scan3A_23 = arith.addi %scan3A_21, %scan3A_22 : i32
    %scan3A_24 = arith.constant 1 : i32
    scf.for %scan3A_26 = %scan3A_21 to %scan3A_23 step %scan3A_24  : i32 {
      %mul3A_27 = arith.constant 1 : i32
      %mul3A_28 = arith.muli %scan3A_26, %mul3A_27 : i32
      %add3A = arith.constant 0 : i32
      %add3A_29 = arith.addi %add3A, %mul3A_28 : i32
      %mul3A_30 = arith.constant 16 : i32
      %mul3A_31 = arith.muli %add3A_29, %mul3A_30 : i32
      %add3A_32 = arith.addi %arg1, %mul3A_31 : i32
      %lt3A = arith.constant 125 : i32
      %lt3A_33 = arith.cmpi slt, %add3A_32, %lt3A : i32
      %convert_element_type3A = arith.extui %lt3A_33 : i1 to i32
      %cond3A = arith.constant 0 : i32
      %cond3A_34 = arith.cmpi ne, %convert_element_type3A, %cond3A : i32
      scf.if %cond3A_34 {
        %mul3A_35 = arith.constant 400 : i32
        %mul3A_36 = arith.muli %add3A_32, %mul3A_35 : i32
        "tpu.region"() ({
          %run_scoped3A = tpu.sem_alloc : memref<!tpu.dma_semaphore, #tpu.memory_space<semaphore_mem>>
          %dma_start3A = arith.constant 0 : i32
          %dma_start3A_43 = arith.constant 0 : i32
          %dma_start3A_44 = tpu.memref_slice %arg9[%dma_start3A, %dma_start3A_43] : memref<512x32xf32, #tpu.memory_space<vmem>> -> memref<400x32xf32, #tpu.memory_space<vmem>>
          %dma_start3A_45 = arith.constant 0 : i32
          %dma_start3A_46 = tpu.memref_slice %arg10[%mul3A_36, %dma_start3A_45] : memref<50176x32xf32, #tpu.memory_space<vmem_shared>> -> memref<400x32xf32, #tpu.memory_space<vmem_shared>>
          %dma_start3A_47 = arith.constant 0 : i32
          %dma_start3A_48 = arith.constant 0 : i32
          %dma_start3A_49 = tpu.memref_slice %arg9[%dma_start3A_47, %dma_start3A_48] : memref<512x32xf32, #tpu.memory_space<vmem>> -> memref<400x32xf32, #tpu.memory_space<vmem>>
          %dma_start3A_50 = arith.constant 0 : i32
          %dma_start3A_51 = tpu.memref_slice %arg10[%mul3A_36, %dma_start3A_50] : memref<50176x32xf32, #tpu.memory_space<vmem_shared>> -> memref<400x32xf32, #tpu.memory_space<vmem_shared>>
          tpu.enqueue_dma source(%dma_start3A_51 : memref<400x32xf32, #tpu.memory_space<vmem_shared>>) target(%dma_start3A_49 : memref<400x32xf32, #tpu.memory_space<vmem>>) target_semaphore(%run_scoped3A : memref<!tpu.dma_semaphore, #tpu.memory_space<semaphore_mem>>)
          %dma_wait3A = arith.constant 0 : i32
          %dma_wait3A_52 = arith.constant 0 : i32
          %dma_wait3A_53 = tpu.memref_slice %arg9[%dma_wait3A, %dma_wait3A_52] : memref<512x32xf32, #tpu.memory_space<vmem>> -> memref<400x32xf32, #tpu.memory_space<vmem>>
          %dma_wait3A_54 = arith.constant 0 : i32
          %dma_wait3A_55 = tpu.memref_slice %arg10[%mul3A_36, %dma_wait3A_54] : memref<50176x32xf32, #tpu.memory_space<vmem_shared>> -> memref<400x32xf32, #tpu.memory_space<vmem_shared>>
          %dma_wait3A_56 = arith.constant 0 : i32
          %dma_wait3A_57 = arith.constant 0 : i32
          %dma_wait3A_58 = tpu.memref_slice %arg9[%dma_wait3A_56, %dma_wait3A_57] : memref<512x32xf32, #tpu.memory_space<vmem>> -> memref<400x32xf32, #tpu.memory_space<vmem>>
          %dma_wait3A_59 = arith.constant 0 : i32
          %dma_wait3A_60 = tpu.memref_slice %arg10[%mul3A_36, %dma_wait3A_59] : memref<50176x32xf32, #tpu.memory_space<vmem_shared>> -> memref<400x32xf32, #tpu.memory_space<vmem_shared>>
          tpu.wait_dma2 semaphore(%run_scoped3A : memref<!tpu.dma_semaphore, #tpu.memory_space<semaphore_mem>>) src(%dma_wait3A_60 : memref<400x32xf32, #tpu.memory_space<vmem_shared>>) dst(%dma_wait3A_58 : memref<400x32xf32, #tpu.memory_space<vmem>>)
          tpu.yield
        }) : () -> ()
        %scan3A_37 = arith.constant 0 : i32
        %scan3A_38 = arith.constant 400 : i32
        %scan3A_39 = arith.addi %scan3A_37, %scan3A_38 : i32
        %scan3A_40 = arith.constant 1 : i32
        scf.for %scan3A_43 = %scan3A_37 to %scan3A_39 step %scan3A_40  : i32 {
          %mul3A_44 = arith.constant 1 : i32
          %mul3A_45 = arith.muli %scan3A_43, %mul3A_44 : i32
          %add3A_46 = arith.constant 0 : i32
          %add3A_47 = arith.addi %add3A_46, %mul3A_45 : i32
          %scan3A_48 = arith.constant 0 : i32
          %scan3A_49 = arith.constant 2 : i32
          %scan3A_50 = arith.addi %scan3A_48, %scan3A_49 : i32
          %scan3A_51 = arith.constant 1 : i32
          scf.for %scan3A_53 = %scan3A_48 to %scan3A_50 step %scan3A_51  : i32 {
            %mul3A_54 = arith.constant 16 : i32
            %mul3A_55 = arith.muli %scan3A_53, %mul3A_54 : i32
            %add3A_56 = arith.constant 0 : i32
            %add3A_57 = arith.addi %add3A_56, %mul3A_55 : i32
            %get3A = arith.index_cast %add3A_47 : i32 to index
            %get3A_58 = arith.index_cast %add3A_57 : i32 to index
            %get3A_59 = tpu.vector_load %arg9[%get3A, %get3A_58] {strides = array<i32>} : memref<512x32xf32, #tpu.memory_space<vmem>>, vector<1x16xf32>,
            %get3A_60 = vector.shape_cast %get3A_59 : vector<1x16xf32> to vector<16xf32>
            %mul3A_61 = arith.constant 5.000000e-01 : f32
            %mul3A_62 = vector.broadcast %mul3A_61 : f32 to vector<16xf32>
            %mul3A_63 = arith.mulf %get3A_60, %mul3A_62 : vector<16xf32>
            %swap3A = arith.index_cast %add3A_47 : i32 to index
            %swap3A_64 = arith.index_cast %add3A_57 : i32 to index
            %swap3A_65 = tpu.vector_load %arg9[%swap3A, %swap3A_64] {strides = array<i32>} : memref<512x32xf32, #tpu.memory_space<vmem>>, vector<1x16xf32>,
            %swap3A_66 = vector.shape_cast %swap3A_65 : vector<1x16xf32> to vector<16xf32>
            %swap3A_67 = vector.shape_cast %mul3A_63 : vector<16xf32> to vector<1x16xf32>
            tpu.vector_store %arg9[%swap3A, %swap3A_64], %swap3A_67 {strides = array<i32>} : memref<512x32xf32, #tpu.memory_space<vmem>>, vector<1x16xf32>,
          }
          %scan3A_52 = arith.constant 2 : i32
        }
        %scan3A_41 = arith.constant 400 : i32
        %add3A_42 = arith.addi %mul3A_0, %mul3A_36 : i32
        "tpu.region"() ({
          %run_scoped3A = tpu.sem_alloc : memref<!tpu.dma_semaphore, #tpu.memory_space<semaphore_mem>>
          %dma_start3A = arith.constant 0 : i32
          %dma_start3A_43 = arith.constant 0 : i32
          %dma_start3A_44 = tpu.memref_slice %arg9[%dma_start3A, %dma_start3A_43] : memref<512x32xf32, #tpu.memory_space<vmem>> -> memref<400x32xf32, #tpu.memory_space<vmem>>
          %dma_start3A_45 = arith.constant 0 : i32
          %dma_start3A_46 = tpu.memref_slice %arg5[%add3A_42, %dma_start3A_45] : memref<100000x32xf32, #tpu.memory_space<hbm>> -> memref<400x32xf32, #tpu.memory_space<hbm>>
          %dma_start3A_47 = arith.constant 0 : i32
          %dma_start3A_48 = tpu.memref_slice %arg5[%add3A_42, %dma_start3A_47] : memref<100000x32xf32, #tpu.memory_space<hbm>> -> memref<400x32xf32, #tpu.memory_space<hbm>>
          %dma_start3A_49 = arith.constant 0 : i32
          %dma_start3A_50 = arith.constant 0 : i32
          %dma_start3A_51 = tpu.memref_slice %arg9[%dma_start3A_49, %dma_start3A_50] : memref<512x32xf32, #tpu.memory_space<vmem>> -> memref<400x32xf32, #tpu.memory_space<vmem>>
          tpu.enqueue_dma source(%dma_start3A_51 : memref<400x32xf32, #tpu.memory_space<vmem>>) target(%dma_start3A_48 : memref<400x32xf32, #tpu.memory_space<hbm>>) target_semaphore(%run_scoped3A : memref<!tpu.dma_semaphore, #tpu.memory_space<semaphore_mem>>)
          %dma_wait3A = arith.constant 0 : i32
          %dma_wait3A_52 = arith.constant 0 : i32
          %dma_wait3A_53 = tpu.memref_slice %arg9[%dma_wait3A, %dma_wait3A_52] : memref<512x32xf32, #tpu.memory_space<vmem>> -> memref<400x32xf32, #tpu.memory_space<vmem>>
          %dma_wait3A_54 = arith.constant 0 : i32
          %dma_wait3A_55 = tpu.memref_slice %arg5[%add3A_42, %dma_wait3A_54] : memref<100000x32xf32, #tpu.memory_space<hbm>> -> memref<400x32xf32, #tpu.memory_space<hbm>>
          %dma_wait3A_56 = arith.constant 0 : i32
          %dma_wait3A_57 = tpu.memref_slice %arg5[%add3A_42, %dma_wait3A_56] : memref<100000x32xf32, #tpu.memory_space<hbm>> -> memref<400x32xf32, #tpu.memory_space<hbm>>
          %dma_wait3A_58 = arith.constant 0 : i32
          %dma_wait3A_59 = arith.constant 0 : i32
          %dma_wait3A_60 = tpu.memref_slice %arg9[%dma_wait3A_58, %dma_wait3A_59] : memref<512x32xf32, #tpu.memory_space<vmem>> -> memref<400x32xf32, #tpu.memory_space<vmem>>
          tpu.wait_dma2 semaphore(%run_scoped3A : memref<!tpu.dma_semaphore, #tpu.memory_space<semaphore_mem>>) src(%dma_wait3A_60 : memref<400x32xf32, #tpu.memory_space<vmem>>) dst(%dma_wait3A_57 : memref<400x32xf32, #tpu.memory_space<hbm>>)
          tpu.yield
        }) : () -> ()
      } else {
      }
    }
    %scan3A_25 = arith.constant 8 : i32
    return
  }
}

#map = affine_map<(d0, d1) -> (0, 0)>
module attributes {stable_mosaic.version = 14 : i64} {
  func.func @k(%arg0: i32, %arg1: i32, %arg2: memref<100008x32xf32, #tpu.memory_space<hbm>>, %arg3: memref<12800x128xi32, #tpu.memory_space<hbm>>, %arg4: memref<12800x128xi32, #tpu.memory_space<hbm>>, %arg5: memref<100008x32xf32, #tpu.memory_space<hbm>>, %arg6: memref<4x128xi32, #tpu.memory_space<vmem>>, %arg7: memref<4x128xi32, #tpu.memory_space<vmem>>, %arg8: memref<4x128xi32, #tpu.memory_space<vmem>>, %arg9: memref<512x32xf32, #tpu.memory_space<vmem>>, %arg10: memref<50176x32xf32, #tpu.memory_space<vmem_shared>>) attributes {dimension_semantics = [#tpu.dimension_semantics<core_parallel>, #tpu.dimension_semantics<subcore_parallel>], iteration_bounds = array<i64: 2, 16>, scalar_prefetch = 0 : i64, scratch_operands = 5 : i64, tpu.core_type = #tpu.core_type<sc_vector_subcore>, window_params = [{transform_indices = #map}, {transform_indices = #map}, {transform_indices = #map}, {transform_indices = #map}]} {
    %mul3A = arith.constant 50000 : i32
    %mul3A_0 = arith.muli %arg0, %mul3A : i32
    %scan3A = arith.constant 0 : i32
    %scan3A_1 = arith.constant 512 : i32
    %scan3A_2 = arith.addi %scan3A, %scan3A_1 : i32
    %scan3A_3 = arith.constant 1 : i32
    scf.for %scan3A_30 = %scan3A to %scan3A_2 step %scan3A_3  : i32 {
      %mul3A_31 = arith.constant 1 : i32
      %mul3A_32 = arith.muli %scan3A_30, %mul3A_31 : i32
      %add3A = arith.constant 0 : i32
      %add3A_33 = arith.addi %add3A, %mul3A_32 : i32
      %scan3A_34 = arith.constant 0 : i32
      %scan3A_35 = arith.constant 2 : i32
      %scan3A_36 = arith.addi %scan3A_34, %scan3A_35 : i32
      %scan3A_37 = arith.constant 1 : i32
      scf.for %scan3A_39 = %scan3A_34 to %scan3A_36 step %scan3A_37  : i32 {
        %mul3A_40 = arith.constant 16 : i32
        %mul3A_41 = arith.muli %scan3A_39, %mul3A_40 : i32
        %add3A_42 = arith.constant 0 : i32
        %add3A_43 = arith.addi %add3A_42, %mul3A_41 : i32
        %broadcast_in_dim3A = arith.constant 0.000000e+00 : f32
        %broadcast_in_dim3A_44 = vector.broadcast %broadcast_in_dim3A : f32 to vector<16xf32>
        %swap3A = arith.index_cast %add3A_33 : i32 to index
        %swap3A_45 = arith.index_cast %add3A_43 : i32 to index
        %swap3A_46 = tpu.vector_load %arg9[%swap3A, %swap3A_45] {strides = array<i32>} : memref<512x32xf32, #tpu.memory_space<vmem>>, vector<1x16xf32>,
        %swap3A_47 = vector.shape_cast %swap3A_46 : vector<1x16xf32> to vector<16xf32>
        %swap3A_48 = vector.shape_cast %broadcast_in_dim3A_44 : vector<16xf32> to vector<1x16xf32>
        tpu.vector_store %arg9[%swap3A, %swap3A_45], %swap3A_48 {strides = array<i32>} : memref<512x32xf32, #tpu.memory_space<vmem>>, vector<1x16xf32>,
      }
      %scan3A_38 = arith.constant 2 : i32
    }
    %scan3A_4 = arith.constant 512 : i32
    %scan3A_5 = arith.constant 0 : i32
    %scan3A_6 = arith.constant 8 : i32
    %scan3A_7 = arith.addi %scan3A_5, %scan3A_6 : i32
    %scan3A_8 = arith.constant 1 : i32
    scf.for %scan3A_30 = %scan3A_5 to %scan3A_7 step %scan3A_8  : i32 {
      %mul3A_31 = arith.constant 1 : i32
      %mul3A_32 = arith.muli %scan3A_30, %mul3A_31 : i32
      %add3A = arith.constant 0 : i32
      %add3A_33 = arith.addi %add3A, %mul3A_32 : i32
      %mul3A_34 = arith.constant 3136 : i32
      %mul3A_35 = arith.muli %arg1, %mul3A_34 : i32
      %mul3A_36 = arith.constant 392 : i32
      %mul3A_37 = arith.muli %add3A_33, %mul3A_36 : i32
      %add3A_38 = arith.addi %mul3A_35, %mul3A_37 : i32
      "tpu.region"() ({
        %run_scoped3A = tpu.sem_alloc : memref<!tpu.dma_semaphore, #tpu.memory_space<semaphore_mem>>
        %dma_start3A = arith.constant 0 : i32
        %dma_start3A_39 = arith.constant 0 : i32
        %dma_start3A_40 = tpu.memref_slice %arg9[%dma_start3A, %dma_start3A_39] : memref<512x32xf32, #tpu.memory_space<vmem>> -> memref<392x32xf32, #tpu.memory_space<vmem>>
        %dma_start3A_41 = arith.constant 0 : i32
        %dma_start3A_42 = tpu.memref_slice %arg10[%add3A_38, %dma_start3A_41] : memref<50176x32xf32, #tpu.memory_space<vmem_shared>> -> memref<392x32xf32, #tpu.memory_space<vmem_shared>>
        %dma_start3A_43 = arith.constant 0 : i32
        %dma_start3A_44 = tpu.memref_slice %arg10[%add3A_38, %dma_start3A_43] : memref<50176x32xf32, #tpu.memory_space<vmem_shared>> -> memref<392x32xf32, #tpu.memory_space<vmem_shared>>
        %dma_start3A_45 = arith.constant 0 : i32
        %dma_start3A_46 = arith.constant 0 : i32
        %dma_start3A_47 = tpu.memref_slice %arg9[%dma_start3A_45, %dma_start3A_46] : memref<512x32xf32, #tpu.memory_space<vmem>> -> memref<392x32xf32, #tpu.memory_space<vmem>>
        tpu.enqueue_dma source(%dma_start3A_47 : memref<392x32xf32, #tpu.memory_space<vmem>>) target(%dma_start3A_44 : memref<392x32xf32, #tpu.memory_space<vmem_shared>>) target_semaphore(%run_scoped3A : memref<!tpu.dma_semaphore, #tpu.memory_space<semaphore_mem>>)
        %dma_wait3A = arith.constant 0 : i32
        %dma_wait3A_48 = arith.constant 0 : i32
        %dma_wait3A_49 = tpu.memref_slice %arg9[%dma_wait3A, %dma_wait3A_48] : memref<512x32xf32, #tpu.memory_space<vmem>> -> memref<392x32xf32, #tpu.memory_space<vmem>>
        %dma_wait3A_50 = arith.constant 0 : i32
        %dma_wait3A_51 = tpu.memref_slice %arg10[%add3A_38, %dma_wait3A_50] : memref<50176x32xf32, #tpu.memory_space<vmem_shared>> -> memref<392x32xf32, #tpu.memory_space<vmem_shared>>
        %dma_wait3A_52 = arith.constant 0 : i32
        %dma_wait3A_53 = tpu.memref_slice %arg10[%add3A_38, %dma_wait3A_52] : memref<50176x32xf32, #tpu.memory_space<vmem_shared>> -> memref<392x32xf32, #tpu.memory_space<vmem_shared>>
        %dma_wait3A_54 = arith.constant 0 : i32
        %dma_wait3A_55 = arith.constant 0 : i32
        %dma_wait3A_56 = tpu.memref_slice %arg9[%dma_wait3A_54, %dma_wait3A_55] : memref<512x32xf32, #tpu.memory_space<vmem>> -> memref<392x32xf32, #tpu.memory_space<vmem>>
        tpu.wait_dma2 semaphore(%run_scoped3A : memref<!tpu.dma_semaphore, #tpu.memory_space<semaphore_mem>>) src(%dma_wait3A_56 : memref<392x32xf32, #tpu.memory_space<vmem>>) dst(%dma_wait3A_53 : memref<392x32xf32, #tpu.memory_space<vmem_shared>>)
        tpu.yield
      }) : () -> ()
    }
    %scan3A_9 = arith.constant 8 : i32
    %barrier3A = arith.constant 0 : index
    tpu.barrier barrier_id(%barrier3A)
    %scan3A_10 = arith.constant 0 : i32
    %scan3A_11 = arith.constant 200 : i32
    %scan3A_12 = arith.addi %scan3A_10, %scan3A_11 : i32
    %scan3A_13 = arith.constant 1 : i32
    scf.for %scan3A_30 = %scan3A_10 to %scan3A_12 step %scan3A_13  : i32 {
      %mul3A_31 = arith.constant 1 : i32
      %mul3A_32 = arith.muli %scan3A_30, %mul3A_31 : i32
      %add3A = arith.constant 0 : i32
      %add3A_33 = arith.addi %add3A, %mul3A_32 : i32
      %mul3A_34 = arith.constant 800 : i32
      %mul3A_35 = arith.muli %arg1, %mul3A_34 : i32
      %mul3A_36 = arith.constant 4 : i32
      %mul3A_37 = arith.muli %add3A_33, %mul3A_36 : i32
      %add3A_38 = arith.addi %mul3A_35, %mul3A_37 : i32
      "tpu.region"() ({
        %run_scoped3A = tpu.sem_alloc : memref<!tpu.dma_semaphore, #tpu.memory_space<semaphore_mem>>
        %dma_start3A = arith.constant 0 : i32
        %dma_start3A_49 = tpu.memref_slice %arg3[%add3A_38, %dma_start3A] : memref<12800x128xi32, #tpu.memory_space<hbm>> -> memref<4x128xi32, #tpu.memory_space<hbm>>
        %dma_start3A_50 = arith.constant 0 : i32
        %dma_start3A_51 = tpu.memref_slice %arg3[%add3A_38, %dma_start3A_50] : memref<12800x128xi32, #tpu.memory_space<hbm>> -> memref<4x128xi32, #tpu.memory_space<hbm>>
        tpu.enqueue_dma source(%dma_start3A_51 : memref<4x128xi32, #tpu.memory_space<hbm>>) target(%arg6 : memref<4x128xi32, #tpu.memory_space<vmem>>) target_semaphore(%run_scoped3A : memref<!tpu.dma_semaphore, #tpu.memory_space<semaphore_mem>>)
        %dma_wait3A = arith.constant 0 : i32
        %dma_wait3A_52 = tpu.memref_slice %arg3[%add3A_38, %dma_wait3A] : memref<12800x128xi32, #tpu.memory_space<hbm>> -> memref<4x128xi32, #tpu.memory_space<hbm>>
        %dma_wait3A_53 = arith.constant 0 : i32
        %dma_wait3A_54 = tpu.memref_slice %arg3[%add3A_38, %dma_wait3A_53] : memref<12800x128xi32, #tpu.memory_space<hbm>> -> memref<4x128xi32, #tpu.memory_space<hbm>>
        tpu.wait_dma2 semaphore(%run_scoped3A : memref<!tpu.dma_semaphore, #tpu.memory_space<semaphore_mem>>) src(%dma_wait3A_54 : memref<4x128xi32, #tpu.memory_space<hbm>>) dst(%arg6 : memref<4x128xi32, #tpu.memory_space<vmem>>)
        tpu.yield
      }) : () -> ()
      "tpu.region"() ({
        %run_scoped3A = tpu.sem_alloc : memref<!tpu.dma_semaphore, #tpu.memory_space<semaphore_mem>>
        %dma_start3A = arith.constant 0 : i32
        %dma_start3A_49 = tpu.memref_slice %arg4[%add3A_38, %dma_start3A] : memref<12800x128xi32, #tpu.memory_space<hbm>> -> memref<4x128xi32, #tpu.memory_space<hbm>>
        %dma_start3A_50 = arith.constant 0 : i32
        %dma_start3A_51 = tpu.memref_slice %arg4[%add3A_38, %dma_start3A_50] : memref<12800x128xi32, #tpu.memory_space<hbm>> -> memref<4x128xi32, #tpu.memory_space<hbm>>
        tpu.enqueue_dma source(%dma_start3A_51 : memref<4x128xi32, #tpu.memory_space<hbm>>) target(%arg7 : memref<4x128xi32, #tpu.memory_space<vmem>>) target_semaphore(%run_scoped3A : memref<!tpu.dma_semaphore, #tpu.memory_space<semaphore_mem>>)
        %dma_wait3A = arith.constant 0 : i32
        %dma_wait3A_52 = tpu.memref_slice %arg4[%add3A_38, %dma_wait3A] : memref<12800x128xi32, #tpu.memory_space<hbm>> -> memref<4x128xi32, #tpu.memory_space<hbm>>
        %dma_wait3A_53 = arith.constant 0 : i32
        %dma_wait3A_54 = tpu.memref_slice %arg4[%add3A_38, %dma_wait3A_53] : memref<12800x128xi32, #tpu.memory_space<hbm>> -> memref<4x128xi32, #tpu.memory_space<hbm>>
        tpu.wait_dma2 semaphore(%run_scoped3A : memref<!tpu.dma_semaphore, #tpu.memory_space<semaphore_mem>>) src(%dma_wait3A_54 : memref<4x128xi32, #tpu.memory_space<hbm>>) dst(%arg7 : memref<4x128xi32, #tpu.memory_space<vmem>>)
        tpu.yield
      }) : () -> ()
      %scan3A_39 = arith.constant 0 : i32
      %scan3A_40 = arith.constant 4 : i32
      %scan3A_41 = arith.addi %scan3A_39, %scan3A_40 : i32
      %scan3A_42 = arith.constant 1 : i32
      scf.for %scan3A_49 = %scan3A_39 to %scan3A_41 step %scan3A_42  : i32 {
        %mul3A_50 = arith.constant 1 : i32
        %mul3A_51 = arith.muli %scan3A_49, %mul3A_50 : i32
        %add3A_52 = arith.constant 0 : i32
        %add3A_53 = arith.addi %add3A_52, %mul3A_51 : i32
        %scan3A_54 = arith.constant 0 : i32
        %scan3A_55 = arith.constant 8 : i32
        %scan3A_56 = arith.addi %scan3A_54, %scan3A_55 : i32
        %scan3A_57 = arith.constant 1 : i32
        scf.for %scan3A_59 = %scan3A_54 to %scan3A_56 step %scan3A_57  : i32 {
          %mul3A_60 = arith.constant 16 : i32
          %mul3A_61 = arith.muli %scan3A_59, %mul3A_60 : i32
          %add3A_62 = arith.constant 0 : i32
          %add3A_63 = arith.addi %add3A_62, %mul3A_61 : i32
          %get3A = arith.index_cast %add3A_53 : i32 to index
          %get3A_64 = arith.index_cast %add3A_63 : i32 to index
          %get3A_65 = tpu.vector_load %arg6[%get3A, %get3A_64] {strides = array<i32>} : memref<4x128xi32, #tpu.memory_space<vmem>>, vector<1x16xi32>,
          %get3A_66 = vector.shape_cast %get3A_65 : vector<1x16xi32> to vector<16xi32>
          %sub3A = vector.broadcast %mul3A_0 : i32 to vector<16xi32>
          %sub3A_67 = arith.subi %get3A_66, %sub3A : vector<16xi32>
          %min3A = arith.constant 50000 : i32
          %min3A_68 = vector.broadcast %min3A : i32 to vector<16xi32>
          %min3A_69 = arith.minui %sub3A_67, %min3A_68 : vector<16xi32>
          %swap3A = arith.index_cast %add3A_53 : i32 to index
          %swap3A_70 = arith.index_cast %add3A_63 : i32 to index
          %swap3A_71 = tpu.vector_load %arg8[%swap3A, %swap3A_70] {strides = array<i32>} : memref<4x128xi32, #tpu.memory_space<vmem>>, vector<1x16xi32>,
          %swap3A_72 = vector.shape_cast %swap3A_71 : vector<1x16xi32> to vector<16xi32>
          %swap3A_73 = vector.shape_cast %min3A_69 : vector<16xi32> to vector<1x16xi32>
          tpu.vector_store %arg8[%swap3A, %swap3A_70], %swap3A_73 {strides = array<i32>} : memref<4x128xi32, #tpu.memory_space<vmem>>, vector<1x16xi32>,
        }
        %scan3A_58 = arith.constant 8 : i32
      }
      %scan3A_43 = arith.constant 4 : i32
      %scan3A_44 = arith.constant 0 : i32
      %scan3A_45 = arith.constant 4 : i32
      %scan3A_46 = arith.addi %scan3A_44, %scan3A_45 : i32
      %scan3A_47 = arith.constant 1 : i32
      scf.for %scan3A_49 = %scan3A_44 to %scan3A_46 step %scan3A_47  : i32 {
        %mul3A_50 = arith.constant 1 : i32
        %mul3A_51 = arith.muli %scan3A_49, %mul3A_50 : i32
        %add3A_52 = arith.constant 0 : i32
        %add3A_53 = arith.addi %add3A_52, %mul3A_51 : i32
        %mul3A_54 = arith.constant 128 : i32
        %mul3A_55 = arith.muli %add3A_53, %mul3A_54 : i32
        "tpu.region"() ({
          %run_scoped3A = tpu.sem_alloc : memref<!tpu.dma_semaphore, #tpu.memory_space<semaphore_mem>>
          %dma_start3A = arith.constant 0 : i32
          %dma_start3A_56 = tpu.memref_slice %arg9[%mul3A_55, %dma_start3A] : memref<512x32xf32, #tpu.memory_space<vmem>> -> memref<128x32xf32, #tpu.memory_space<vmem>>
          %dma_start3A_57 = arith.constant 0 : i32
          %dma_start3A_58 = tpu.memref_slice %arg7[%add3A_53, %dma_start3A_57] : memref<4x128xi32, #tpu.memory_space<vmem>> -> memref<1x128xi32, #tpu.memory_space<vmem>>
          %dma_start3A_59 = tpu.memref_squeeze %dma_start3A_58 : memref<1x128xi32, #tpu.memory_space<vmem>> -> memref<128xi32, #tpu.memory_space<vmem>>
          %dma_start3A_60 = arith.constant 0 : i32
          %dma_start3A_61 = arith.constant 0 : i32
          %dma_start3A_62 = tpu.memref_slice %arg2[%dma_start3A_60, %dma_start3A_61] : memref<100008x32xf32, #tpu.memory_space<hbm>> -> memref<100008x32xf32, #tpu.memory_space<hbm>>
          tpu.enqueue_indirect_dma source(%dma_start3A_62 : memref<100008x32xf32, #tpu.memory_space<hbm>>) target(%dma_start3A_56 : memref<128x32xf32, #tpu.memory_space<vmem>>) offsets(%dma_start3A_59 : memref<128xi32, #tpu.memory_space<vmem>>) semaphore(%run_scoped3A : memref<!tpu.dma_semaphore, #tpu.memory_space<semaphore_mem>>)
          %dma_wait3A = arith.constant 0 : i32
          %dma_wait3A_63 = tpu.memref_slice %arg9[%mul3A_55, %dma_wait3A] : memref<512x32xf32, #tpu.memory_space<vmem>> -> memref<128x32xf32, #tpu.memory_space<vmem>>
          %dma_wait3A_64 = arith.constant 0 : i32
          %dma_wait3A_65 = tpu.memref_slice %arg7[%add3A_53, %dma_wait3A_64] : memref<4x128xi32, #tpu.memory_space<vmem>> -> memref<1x128xi32, #tpu.memory_space<vmem>>
          %dma_wait3A_66 = tpu.memref_squeeze %dma_wait3A_65 : memref<1x128xi32, #tpu.memory_space<vmem>> -> memref<128xi32, #tpu.memory_space<vmem>>
          %dma_wait3A_67 = arith.constant 0 : i32
          %dma_wait3A_68 = arith.constant 0 : i32
          %dma_wait3A_69 = tpu.memref_slice %arg2[%dma_wait3A_67, %dma_wait3A_68] : memref<100008x32xf32, #tpu.memory_space<hbm>> -> memref<100008x32xf32, #tpu.memory_space<hbm>>
          tpu.wait_indirect_dma semaphore(%run_scoped3A : memref<!tpu.dma_semaphore, #tpu.memory_space<semaphore_mem>>) src(%dma_wait3A_69 : memref<100008x32xf32, #tpu.memory_space<hbm>>) dst(%dma_wait3A_63 : memref<128x32xf32, #tpu.memory_space<vmem>>)
          tpu.yield
        }) : () -> ()
        "tpu.region"() ({
          %run_scoped3A = tpu.sem_alloc : memref<!tpu.dma_semaphore, #tpu.memory_space<semaphore_mem>>
          %dma_start3A = arith.constant 0 : i32
          %dma_start3A_56 = tpu.memref_slice %arg9[%mul3A_55, %dma_start3A] : memref<512x32xf32, #tpu.memory_space<vmem>> -> memref<128x32xf32, #tpu.memory_space<vmem>>
          %dma_start3A_57 = arith.constant 0 : i32
          %dma_start3A_58 = tpu.memref_slice %arg8[%add3A_53, %dma_start3A_57] : memref<4x128xi32, #tpu.memory_space<vmem>> -> memref<1x128xi32, #tpu.memory_space<vmem>>
          %dma_start3A_59 = tpu.memref_squeeze %dma_start3A_58 : memref<1x128xi32, #tpu.memory_space<vmem>> -> memref<128xi32, #tpu.memory_space<vmem>>
          %dma_start3A_60 = arith.constant 0 : i32
          %dma_start3A_61 = arith.constant 0 : i32
          %dma_start3A_62 = tpu.memref_slice %arg10[%dma_start3A_60, %dma_start3A_61] : memref<50176x32xf32, #tpu.memory_space<vmem_shared>> -> memref<50176x32xf32, #tpu.memory_space<vmem_shared>>
          tpu.enqueue_indirect_dma source(%dma_start3A_56 : memref<128x32xf32, #tpu.memory_space<vmem>>) target(%dma_start3A_62 : memref<50176x32xf32, #tpu.memory_space<vmem_shared>>) offsets(%dma_start3A_59 : memref<128xi32, #tpu.memory_space<vmem>>) semaphore(%run_scoped3A : memref<!tpu.dma_semaphore, #tpu.memory_space<semaphore_mem>>) {add = true}
          %dma_wait3A = arith.constant 0 : i32
          %dma_wait3A_63 = tpu.memref_slice %arg9[%mul3A_55, %dma_wait3A] : memref<512x32xf32, #tpu.memory_space<vmem>> -> memref<128x32xf32, #tpu.memory_space<vmem>>
          %dma_wait3A_64 = arith.constant 0 : i32
          %dma_wait3A_65 = tpu.memref_slice %arg8[%add3A_53, %dma_wait3A_64] : memref<4x128xi32, #tpu.memory_space<vmem>> -> memref<1x128xi32, #tpu.memory_space<vmem>>
          %dma_wait3A_66 = tpu.memref_squeeze %dma_wait3A_65 : memref<1x128xi32, #tpu.memory_space<vmem>> -> memref<128xi32, #tpu.memory_space<vmem>>
          %dma_wait3A_67 = arith.constant 0 : i32
          %dma_wait3A_68 = arith.constant 0 : i32
          %dma_wait3A_69 = tpu.memref_slice %arg10[%dma_wait3A_67, %dma_wait3A_68] : memref<50176x32xf32, #tpu.memory_space<vmem_shared>> -> memref<50176x32xf32, #tpu.memory_space<vmem_shared>>
          tpu.wait_indirect_dma semaphore(%run_scoped3A : memref<!tpu.dma_semaphore, #tpu.memory_space<semaphore_mem>>) src(%dma_wait3A_63 : memref<128x32xf32, #tpu.memory_space<vmem>>) dst(%dma_wait3A_69 : memref<50176x32xf32, #tpu.memory_space<vmem_shared>>)
          tpu.yield
        }) : () -> ()
      }
      %scan3A_48 = arith.constant 4 : i32
    }
    %scan3A_14 = arith.constant 200 : i32
    %scan3A_15 = arith.constant 0 : i32
    %scan3A_16 = arith.constant 200 : i32
    %scan3A_17 = arith.addi %scan3A_15, %scan3A_16 : i32
    %scan3A_18 = arith.constant 1 : i32
    scf.for %scan3A_30 = %scan3A_15 to %scan3A_17 step %scan3A_18  : i32 {
      %mul3A_31 = arith.constant 1 : i32
      %mul3A_32 = arith.muli %scan3A_30, %mul3A_31 : i32
      %add3A = arith.constant 0 : i32
      %add3A_33 = arith.addi %add3A, %mul3A_32 : i32
      %mul3A_34 = arith.constant 800 : i32
      %mul3A_35 = arith.muli %arg1, %mul3A_34 : i32
      %mul3A_36 = arith.constant 4 : i32
      %mul3A_37 = arith.muli %add3A_33, %mul3A_36 : i32
      %add3A_38 = arith.addi %mul3A_35, %mul3A_37 : i32
      "tpu.region"() ({
        %run_scoped3A = tpu.sem_alloc : memref<!tpu.dma_semaphore, #tpu.memory_space<semaphore_mem>>
        %dma_start3A = arith.constant 0 : i32
        %dma_start3A_49 = tpu.memref_slice %arg4[%add3A_38, %dma_start3A] : memref<12800x128xi32, #tpu.memory_space<hbm>> -> memref<4x128xi32, #tpu.memory_space<hbm>>
        %dma_start3A_50 = arith.constant 0 : i32
        %dma_start3A_51 = tpu.memref_slice %arg4[%add3A_38, %dma_start3A_50] : memref<12800x128xi32, #tpu.memory_space<hbm>> -> memref<4x128xi32, #tpu.memory_space<hbm>>
        tpu.enqueue_dma source(%dma_start3A_51 : memref<4x128xi32, #tpu.memory_space<hbm>>) target(%arg6 : memref<4x128xi32, #tpu.memory_space<vmem>>) target_semaphore(%run_scoped3A : memref<!tpu.dma_semaphore, #tpu.memory_space<semaphore_mem>>)
        %dma_wait3A = arith.constant 0 : i32
        %dma_wait3A_52 = tpu.memref_slice %arg4[%add3A_38, %dma_wait3A] : memref<12800x128xi32, #tpu.memory_space<hbm>> -> memref<4x128xi32, #tpu.memory_space<hbm>>
        %dma_wait3A_53 = arith.constant 0 : i32
        %dma_wait3A_54 = tpu.memref_slice %arg4[%add3A_38, %dma_wait3A_53] : memref<12800x128xi32, #tpu.memory_space<hbm>> -> memref<4x128xi32, #tpu.memory_space<hbm>>
        tpu.wait_dma2 semaphore(%run_scoped3A : memref<!tpu.dma_semaphore, #tpu.memory_space<semaphore_mem>>) src(%dma_wait3A_54 : memref<4x128xi32, #tpu.memory_space<hbm>>) dst(%arg6 : memref<4x128xi32, #tpu.memory_space<vmem>>)
        tpu.yield
      }) : () -> ()
      "tpu.region"() ({
        %run_scoped3A = tpu.sem_alloc : memref<!tpu.dma_semaphore, #tpu.memory_space<semaphore_mem>>
        %dma_start3A = arith.constant 0 : i32
        %dma_start3A_49 = tpu.memref_slice %arg3[%add3A_38, %dma_start3A] : memref<12800x128xi32, #tpu.memory_space<hbm>> -> memref<4x128xi32, #tpu.memory_space<hbm>>
        %dma_start3A_50 = arith.constant 0 : i32
        %dma_start3A_51 = tpu.memref_slice %arg3[%add3A_38, %dma_start3A_50] : memref<12800x128xi32, #tpu.memory_space<hbm>> -> memref<4x128xi32, #tpu.memory_space<hbm>>
        tpu.enqueue_dma source(%dma_start3A_51 : memref<4x128xi32, #tpu.memory_space<hbm>>) target(%arg7 : memref<4x128xi32, #tpu.memory_space<vmem>>) target_semaphore(%run_scoped3A : memref<!tpu.dma_semaphore, #tpu.memory_space<semaphore_mem>>)
        %dma_wait3A = arith.constant 0 : i32
        %dma_wait3A_52 = tpu.memref_slice %arg3[%add3A_38, %dma_wait3A] : memref<12800x128xi32, #tpu.memory_space<hbm>> -> memref<4x128xi32, #tpu.memory_space<hbm>>
        %dma_wait3A_53 = arith.constant 0 : i32
        %dma_wait3A_54 = tpu.memref_slice %arg3[%add3A_38, %dma_wait3A_53] : memref<12800x128xi32, #tpu.memory_space<hbm>> -> memref<4x128xi32, #tpu.memory_space<hbm>>
        tpu.wait_dma2 semaphore(%run_scoped3A : memref<!tpu.dma_semaphore, #tpu.memory_space<semaphore_mem>>) src(%dma_wait3A_54 : memref<4x128xi32, #tpu.memory_space<hbm>>) dst(%arg7 : memref<4x128xi32, #tpu.memory_space<vmem>>)
        tpu.yield
      }) : () -> ()
      %scan3A_39 = arith.constant 0 : i32
      %scan3A_40 = arith.constant 4 : i32
      %scan3A_41 = arith.addi %scan3A_39, %scan3A_40 : i32
      %scan3A_42 = arith.constant 1 : i32
      scf.for %scan3A_49 = %scan3A_39 to %scan3A_41 step %scan3A_42  : i32 {
        %mul3A_50 = arith.constant 1 : i32
        %mul3A_51 = arith.muli %scan3A_49, %mul3A_50 : i32
        %add3A_52 = arith.constant 0 : i32
        %add3A_53 = arith.addi %add3A_52, %mul3A_51 : i32
        %scan3A_54 = arith.constant 0 : i32
        %scan3A_55 = arith.constant 8 : i32
        %scan3A_56 = arith.addi %scan3A_54, %scan3A_55 : i32
        %scan3A_57 = arith.constant 1 : i32
        scf.for %scan3A_59 = %scan3A_54 to %scan3A_56 step %scan3A_57  : i32 {
          %mul3A_60 = arith.constant 16 : i32
          %mul3A_61 = arith.muli %scan3A_59, %mul3A_60 : i32
          %add3A_62 = arith.constant 0 : i32
          %add3A_63 = arith.addi %add3A_62, %mul3A_61 : i32
          %get3A = arith.index_cast %add3A_53 : i32 to index
          %get3A_64 = arith.index_cast %add3A_63 : i32 to index
          %get3A_65 = tpu.vector_load %arg6[%get3A, %get3A_64] {strides = array<i32>} : memref<4x128xi32, #tpu.memory_space<vmem>>, vector<1x16xi32>,
          %get3A_66 = vector.shape_cast %get3A_65 : vector<1x16xi32> to vector<16xi32>
          %sub3A = vector.broadcast %mul3A_0 : i32 to vector<16xi32>
          %sub3A_67 = arith.subi %get3A_66, %sub3A : vector<16xi32>
          %min3A = arith.constant 50000 : i32
          %min3A_68 = vector.broadcast %min3A : i32 to vector<16xi32>
          %min3A_69 = arith.minui %sub3A_67, %min3A_68 : vector<16xi32>
          %swap3A = arith.index_cast %add3A_53 : i32 to index
          %swap3A_70 = arith.index_cast %add3A_63 : i32 to index
          %swap3A_71 = tpu.vector_load %arg8[%swap3A, %swap3A_70] {strides = array<i32>} : memref<4x128xi32, #tpu.memory_space<vmem>>, vector<1x16xi32>,
          %swap3A_72 = vector.shape_cast %swap3A_71 : vector<1x16xi32> to vector<16xi32>
          %swap3A_73 = vector.shape_cast %min3A_69 : vector<16xi32> to vector<1x16xi32>
          tpu.vector_store %arg8[%swap3A, %swap3A_70], %swap3A_73 {strides = array<i32>} : memref<4x128xi32, #tpu.memory_space<vmem>>, vector<1x16xi32>,
        }
        %scan3A_58 = arith.constant 8 : i32
      }
      %scan3A_43 = arith.constant 4 : i32
      %scan3A_44 = arith.constant 0 : i32
      %scan3A_45 = arith.constant 4 : i32
      %scan3A_46 = arith.addi %scan3A_44, %scan3A_45 : i32
      %scan3A_47 = arith.constant 1 : i32
      scf.for %scan3A_49 = %scan3A_44 to %scan3A_46 step %scan3A_47  : i32 {
        %mul3A_50 = arith.constant 1 : i32
        %mul3A_51 = arith.muli %scan3A_49, %mul3A_50 : i32
        %add3A_52 = arith.constant 0 : i32
        %add3A_53 = arith.addi %add3A_52, %mul3A_51 : i32
        %mul3A_54 = arith.constant 128 : i32
        %mul3A_55 = arith.muli %add3A_53, %mul3A_54 : i32
        "tpu.region"() ({
          %run_scoped3A = tpu.sem_alloc : memref<!tpu.dma_semaphore, #tpu.memory_space<semaphore_mem>>
          %dma_start3A = arith.constant 0 : i32
          %dma_start3A_56 = tpu.memref_slice %arg9[%mul3A_55, %dma_start3A] : memref<512x32xf32, #tpu.memory_space<vmem>> -> memref<128x32xf32, #tpu.memory_space<vmem>>
          %dma_start3A_57 = arith.constant 0 : i32
          %dma_start3A_58 = tpu.memref_slice %arg7[%add3A_53, %dma_start3A_57] : memref<4x128xi32, #tpu.memory_space<vmem>> -> memref<1x128xi32, #tpu.memory_space<vmem>>
          %dma_start3A_59 = tpu.memref_squeeze %dma_start3A_58 : memref<1x128xi32, #tpu.memory_space<vmem>> -> memref<128xi32, #tpu.memory_space<vmem>>
          %dma_start3A_60 = arith.constant 0 : i32
          %dma_start3A_61 = arith.constant 0 : i32
          %dma_start3A_62 = tpu.memref_slice %arg2[%dma_start3A_60, %dma_start3A_61] : memref<100008x32xf32, #tpu.memory_space<hbm>> -> memref<100008x32xf32, #tpu.memory_space<hbm>>
          tpu.enqueue_indirect_dma source(%dma_start3A_62 : memref<100008x32xf32, #tpu.memory_space<hbm>>) target(%dma_start3A_56 : memref<128x32xf32, #tpu.memory_space<vmem>>) offsets(%dma_start3A_59 : memref<128xi32, #tpu.memory_space<vmem>>) semaphore(%run_scoped3A : memref<!tpu.dma_semaphore, #tpu.memory_space<semaphore_mem>>)
          %dma_wait3A = arith.constant 0 : i32
          %dma_wait3A_63 = tpu.memref_slice %arg9[%mul3A_55, %dma_wait3A] : memref<512x32xf32, #tpu.memory_space<vmem>> -> memref<128x32xf32, #tpu.memory_space<vmem>>
          %dma_wait3A_64 = arith.constant 0 : i32
          %dma_wait3A_65 = tpu.memref_slice %arg7[%add3A_53, %dma_wait3A_64] : memref<4x128xi32, #tpu.memory_space<vmem>> -> memref<1x128xi32, #tpu.memory_space<vmem>>
          %dma_wait3A_66 = tpu.memref_squeeze %dma_wait3A_65 : memref<1x128xi32, #tpu.memory_space<vmem>> -> memref<128xi32, #tpu.memory_space<vmem>>
          %dma_wait3A_67 = arith.constant 0 : i32
          %dma_wait3A_68 = arith.constant 0 : i32
          %dma_wait3A_69 = tpu.memref_slice %arg2[%dma_wait3A_67, %dma_wait3A_68] : memref<100008x32xf32, #tpu.memory_space<hbm>> -> memref<100008x32xf32, #tpu.memory_space<hbm>>
          tpu.wait_indirect_dma semaphore(%run_scoped3A : memref<!tpu.dma_semaphore, #tpu.memory_space<semaphore_mem>>) src(%dma_wait3A_69 : memref<100008x32xf32, #tpu.memory_space<hbm>>) dst(%dma_wait3A_63 : memref<128x32xf32, #tpu.memory_space<vmem>>)
          tpu.yield
        }) : () -> ()
        "tpu.region"() ({
          %run_scoped3A = tpu.sem_alloc : memref<!tpu.dma_semaphore, #tpu.memory_space<semaphore_mem>>
          %dma_start3A = arith.constant 0 : i32
          %dma_start3A_56 = tpu.memref_slice %arg9[%mul3A_55, %dma_start3A] : memref<512x32xf32, #tpu.memory_space<vmem>> -> memref<128x32xf32, #tpu.memory_space<vmem>>
          %dma_start3A_57 = arith.constant 0 : i32
          %dma_start3A_58 = tpu.memref_slice %arg8[%add3A_53, %dma_start3A_57] : memref<4x128xi32, #tpu.memory_space<vmem>> -> memref<1x128xi32, #tpu.memory_space<vmem>>
          %dma_start3A_59 = tpu.memref_squeeze %dma_start3A_58 : memref<1x128xi32, #tpu.memory_space<vmem>> -> memref<128xi32, #tpu.memory_space<vmem>>
          %dma_start3A_60 = arith.constant 0 : i32
          %dma_start3A_61 = arith.constant 0 : i32
          %dma_start3A_62 = tpu.memref_slice %arg10[%dma_start3A_60, %dma_start3A_61] : memref<50176x32xf32, #tpu.memory_space<vmem_shared>> -> memref<50176x32xf32, #tpu.memory_space<vmem_shared>>
          tpu.enqueue_indirect_dma source(%dma_start3A_56 : memref<128x32xf32, #tpu.memory_space<vmem>>) target(%dma_start3A_62 : memref<50176x32xf32, #tpu.memory_space<vmem_shared>>) offsets(%dma_start3A_59 : memref<128xi32, #tpu.memory_space<vmem>>) semaphore(%run_scoped3A : memref<!tpu.dma_semaphore, #tpu.memory_space<semaphore_mem>>) {add = true}
          %dma_wait3A = arith.constant 0 : i32
          %dma_wait3A_63 = tpu.memref_slice %arg9[%mul3A_55, %dma_wait3A] : memref<512x32xf32, #tpu.memory_space<vmem>> -> memref<128x32xf32, #tpu.memory_space<vmem>>
          %dma_wait3A_64 = arith.constant 0 : i32
          %dma_wait3A_65 = tpu.memref_slice %arg8[%add3A_53, %dma_wait3A_64] : memref<4x128xi32, #tpu.memory_space<vmem>> -> memref<1x128xi32, #tpu.memory_space<vmem>>
          %dma_wait3A_66 = tpu.memref_squeeze %dma_wait3A_65 : memref<1x128xi32, #tpu.memory_space<vmem>> -> memref<128xi32, #tpu.memory_space<vmem>>
          %dma_wait3A_67 = arith.constant 0 : i32
          %dma_wait3A_68 = arith.constant 0 : i32
          %dma_wait3A_69 = tpu.memref_slice %arg10[%dma_wait3A_67, %dma_wait3A_68] : memref<50176x32xf32, #tpu.memory_space<vmem_shared>> -> memref<50176x32xf32, #tpu.memory_space<vmem_shared>>
          tpu.wait_indirect_dma semaphore(%run_scoped3A : memref<!tpu.dma_semaphore, #tpu.memory_space<semaphore_mem>>) src(%dma_wait3A_63 : memref<128x32xf32, #tpu.memory_space<vmem>>) dst(%dma_wait3A_69 : memref<50176x32xf32, #tpu.memory_space<vmem_shared>>)
          tpu.yield
        }) : () -> ()
      }
      %scan3A_48 = arith.constant 4 : i32
    }
    %scan3A_19 = arith.constant 200 : i32
    %barrier3A_20 = arith.constant 0 : index
    tpu.barrier barrier_id(%barrier3A_20)
    %scan3A_21 = arith.constant 0 : i32
    %scan3A_22 = arith.constant 8 : i32
    %scan3A_23 = arith.addi %scan3A_21, %scan3A_22 : i32
    %scan3A_24 = arith.constant 1 : i32
    scf.for %scan3A_30 = %scan3A_21 to %scan3A_23 step %scan3A_24  : i32 {
      %mul3A_31 = arith.constant 1 : i32
      %mul3A_32 = arith.muli %scan3A_30, %mul3A_31 : i32
      %add3A = arith.constant 0 : i32
      %add3A_33 = arith.addi %add3A, %mul3A_32 : i32
      %mul3A_34 = arith.constant 16 : i32
      %mul3A_35 = arith.muli %add3A_33, %mul3A_34 : i32
      %add3A_36 = arith.addi %arg1, %mul3A_35 : i32
      %lt3A = arith.constant 125 : i32
      %lt3A_37 = arith.cmpi slt, %add3A_36, %lt3A : i32
      %convert_element_type3A_38 = arith.extui %lt3A_37 : i1 to i32
      %cond3A_39 = arith.constant 0 : i32
      %cond3A_40 = arith.cmpi ne, %convert_element_type3A_38, %cond3A_39 : i32
      scf.if %cond3A_40 {
        %mul3A_41 = arith.constant 400 : i32
        %mul3A_42 = arith.muli %add3A_36, %mul3A_41 : i32
        "tpu.region"() ({
          %run_scoped3A = tpu.sem_alloc : memref<!tpu.dma_semaphore, #tpu.memory_space<semaphore_mem>>
          %dma_start3A = arith.constant 0 : i32
          %dma_start3A_49 = arith.constant 0 : i32
          %dma_start3A_50 = tpu.memref_slice %arg9[%dma_start3A, %dma_start3A_49] : memref<512x32xf32, #tpu.memory_space<vmem>> -> memref<400x32xf32, #tpu.memory_space<vmem>>
          %dma_start3A_51 = arith.constant 0 : i32
          %dma_start3A_52 = tpu.memref_slice %arg10[%mul3A_42, %dma_start3A_51] : memref<50176x32xf32, #tpu.memory_space<vmem_shared>> -> memref<400x32xf32, #tpu.memory_space<vmem_shared>>
          %dma_start3A_53 = arith.constant 0 : i32
          %dma_start3A_54 = arith.constant 0 : i32
          %dma_start3A_55 = tpu.memref_slice %arg9[%dma_start3A_53, %dma_start3A_54] : memref<512x32xf32, #tpu.memory_space<vmem>> -> memref<400x32xf32, #tpu.memory_space<vmem>>
          %dma_start3A_56 = arith.constant 0 : i32
          %dma_start3A_57 = tpu.memref_slice %arg10[%mul3A_42, %dma_start3A_56] : memref<50176x32xf32, #tpu.memory_space<vmem_shared>> -> memref<400x32xf32, #tpu.memory_space<vmem_shared>>
          tpu.enqueue_dma source(%dma_start3A_57 : memref<400x32xf32, #tpu.memory_space<vmem_shared>>) target(%dma_start3A_55 : memref<400x32xf32, #tpu.memory_space<vmem>>) target_semaphore(%run_scoped3A : memref<!tpu.dma_semaphore, #tpu.memory_space<semaphore_mem>>)
          %dma_wait3A = arith.constant 0 : i32
          %dma_wait3A_58 = arith.constant 0 : i32
          %dma_wait3A_59 = tpu.memref_slice %arg9[%dma_wait3A, %dma_wait3A_58] : memref<512x32xf32, #tpu.memory_space<vmem>> -> memref<400x32xf32, #tpu.memory_space<vmem>>
          %dma_wait3A_60 = arith.constant 0 : i32
          %dma_wait3A_61 = tpu.memref_slice %arg10[%mul3A_42, %dma_wait3A_60] : memref<50176x32xf32, #tpu.memory_space<vmem_shared>> -> memref<400x32xf32, #tpu.memory_space<vmem_shared>>
          %dma_wait3A_62 = arith.constant 0 : i32
          %dma_wait3A_63 = arith.constant 0 : i32
          %dma_wait3A_64 = tpu.memref_slice %arg9[%dma_wait3A_62, %dma_wait3A_63] : memref<512x32xf32, #tpu.memory_space<vmem>> -> memref<400x32xf32, #tpu.memory_space<vmem>>
          %dma_wait3A_65 = arith.constant 0 : i32
          %dma_wait3A_66 = tpu.memref_slice %arg10[%mul3A_42, %dma_wait3A_65] : memref<50176x32xf32, #tpu.memory_space<vmem_shared>> -> memref<400x32xf32, #tpu.memory_space<vmem_shared>>
          tpu.wait_dma2 semaphore(%run_scoped3A : memref<!tpu.dma_semaphore, #tpu.memory_space<semaphore_mem>>) src(%dma_wait3A_66 : memref<400x32xf32, #tpu.memory_space<vmem_shared>>) dst(%dma_wait3A_64 : memref<400x32xf32, #tpu.memory_space<vmem>>)
          tpu.yield
        }) : () -> ()
        %scan3A_43 = arith.constant 0 : i32
        %scan3A_44 = arith.constant 400 : i32
        %scan3A_45 = arith.addi %scan3A_43, %scan3A_44 : i32
        %scan3A_46 = arith.constant 1 : i32
        scf.for %scan3A_49 = %scan3A_43 to %scan3A_45 step %scan3A_46  : i32 {
          %mul3A_50 = arith.constant 1 : i32
          %mul3A_51 = arith.muli %scan3A_49, %mul3A_50 : i32
          %add3A_52 = arith.constant 0 : i32
          %add3A_53 = arith.addi %add3A_52, %mul3A_51 : i32
          %scan3A_54 = arith.constant 0 : i32
          %scan3A_55 = arith.constant 2 : i32
          %scan3A_56 = arith.addi %scan3A_54, %scan3A_55 : i32
          %scan3A_57 = arith.constant 1 : i32
          scf.for %scan3A_59 = %scan3A_54 to %scan3A_56 step %scan3A_57  : i32 {
            %mul3A_60 = arith.constant 16 : i32
            %mul3A_61 = arith.muli %scan3A_59, %mul3A_60 : i32
            %add3A_62 = arith.constant 0 : i32
            %add3A_63 = arith.addi %add3A_62, %mul3A_61 : i32
            %get3A = arith.index_cast %add3A_53 : i32 to index
            %get3A_64 = arith.index_cast %add3A_63 : i32 to index
            %get3A_65 = tpu.vector_load %arg9[%get3A, %get3A_64] {strides = array<i32>} : memref<512x32xf32, #tpu.memory_space<vmem>>, vector<1x16xf32>,
            %get3A_66 = vector.shape_cast %get3A_65 : vector<1x16xf32> to vector<16xf32>
            %mul3A_67 = arith.constant 5.000000e-01 : f32
            %mul3A_68 = vector.broadcast %mul3A_67 : f32 to vector<16xf32>
            %mul3A_69 = arith.mulf %get3A_66, %mul3A_68 : vector<16xf32>
            %swap3A = arith.index_cast %add3A_53 : i32 to index
            %swap3A_70 = arith.index_cast %add3A_63 : i32 to index
            %swap3A_71 = tpu.vector_load %arg9[%swap3A, %swap3A_70] {strides = array<i32>} : memref<512x32xf32, #tpu.memory_space<vmem>>, vector<1x16xf32>,
            %swap3A_72 = vector.shape_cast %swap3A_71 : vector<1x16xf32> to vector<16xf32>
            %swap3A_73 = vector.shape_cast %mul3A_69 : vector<16xf32> to vector<1x16xf32>
            tpu.vector_store %arg9[%swap3A, %swap3A_70], %swap3A_73 {strides = array<i32>} : memref<512x32xf32, #tpu.memory_space<vmem>>, vector<1x16xf32>,
          }
          %scan3A_58 = arith.constant 2 : i32
        }
        %scan3A_47 = arith.constant 400 : i32
        %add3A_48 = arith.addi %mul3A_0, %mul3A_42 : i32
        "tpu.region"() ({
          %run_scoped3A = tpu.sem_alloc : memref<!tpu.dma_semaphore, #tpu.memory_space<semaphore_mem>>
          %dma_start3A = arith.constant 0 : i32
          %dma_start3A_49 = arith.constant 0 : i32
          %dma_start3A_50 = tpu.memref_slice %arg9[%dma_start3A, %dma_start3A_49] : memref<512x32xf32, #tpu.memory_space<vmem>> -> memref<400x32xf32, #tpu.memory_space<vmem>>
          %dma_start3A_51 = arith.constant 0 : i32
          %dma_start3A_52 = tpu.memref_slice %arg5[%add3A_48, %dma_start3A_51] : memref<100008x32xf32, #tpu.memory_space<hbm>> -> memref<400x32xf32, #tpu.memory_space<hbm>>
          %dma_start3A_53 = arith.constant 0 : i32
          %dma_start3A_54 = tpu.memref_slice %arg5[%add3A_48, %dma_start3A_53] : memref<100008x32xf32, #tpu.memory_space<hbm>> -> memref<400x32xf32, #tpu.memory_space<hbm>>
          %dma_start3A_55 = arith.constant 0 : i32
          %dma_start3A_56 = arith.constant 0 : i32
          %dma_start3A_57 = tpu.memref_slice %arg9[%dma_start3A_55, %dma_start3A_56] : memref<512x32xf32, #tpu.memory_space<vmem>> -> memref<400x32xf32, #tpu.memory_space<vmem>>
          tpu.enqueue_dma source(%dma_start3A_57 : memref<400x32xf32, #tpu.memory_space<vmem>>) target(%dma_start3A_54 : memref<400x32xf32, #tpu.memory_space<hbm>>) target_semaphore(%run_scoped3A : memref<!tpu.dma_semaphore, #tpu.memory_space<semaphore_mem>>)
          %dma_wait3A = arith.constant 0 : i32
          %dma_wait3A_58 = arith.constant 0 : i32
          %dma_wait3A_59 = tpu.memref_slice %arg9[%dma_wait3A, %dma_wait3A_58] : memref<512x32xf32, #tpu.memory_space<vmem>> -> memref<400x32xf32, #tpu.memory_space<vmem>>
          %dma_wait3A_60 = arith.constant 0 : i32
          %dma_wait3A_61 = tpu.memref_slice %arg5[%add3A_48, %dma_wait3A_60] : memref<100008x32xf32, #tpu.memory_space<hbm>> -> memref<400x32xf32, #tpu.memory_space<hbm>>
          %dma_wait3A_62 = arith.constant 0 : i32
          %dma_wait3A_63 = tpu.memref_slice %arg5[%add3A_48, %dma_wait3A_62] : memref<100008x32xf32, #tpu.memory_space<hbm>> -> memref<400x32xf32, #tpu.memory_space<hbm>>
          %dma_wait3A_64 = arith.constant 0 : i32
          %dma_wait3A_65 = arith.constant 0 : i32
          %dma_wait3A_66 = tpu.memref_slice %arg9[%dma_wait3A_64, %dma_wait3A_65] : memref<512x32xf32, #tpu.memory_space<vmem>> -> memref<400x32xf32, #tpu.memory_space<vmem>>
          tpu.wait_dma2 semaphore(%run_scoped3A : memref<!tpu.dma_semaphore, #tpu.memory_space<semaphore_mem>>) src(%dma_wait3A_66 : memref<400x32xf32, #tpu.memory_space<vmem>>) dst(%dma_wait3A_63 : memref<400x32xf32, #tpu.memory_space<hbm>>)
          tpu.yield
        }) : () -> ()
      } else {
      }
    }
    %scan3A_25 = arith.constant 8 : i32
    %eq3A = arith.constant 1 : i32
    %eq3A_26 = arith.cmpi eq, %arg0, %eq3A : i32
    %eq3A_27 = arith.constant 15 : i32
    %eq3A_28 = arith.cmpi eq, %arg1, %eq3A_27 : i32
    %and3A = arith.andi %eq3A_26, %eq3A_28 : i1
    %convert_element_type3A = arith.extui %and3A : i1 to i32
    %cond3A = arith.constant 0 : i32
    %cond3A_29 = arith.cmpi ne, %convert_element_type3A, %cond3A : i32
    scf.if %cond3A_29 {
      %scan3A_30 = arith.constant 0 : i32
      %scan3A_31 = arith.constant 8 : i32
      %scan3A_32 = arith.addi %scan3A_30, %scan3A_31 : i32
      %scan3A_33 = arith.constant 1 : i32
      scf.for %scan3A_35 = %scan3A_30 to %scan3A_32 step %scan3A_33  : i32 {
        %mul3A_36 = arith.constant 1 : i32
        %mul3A_37 = arith.muli %scan3A_35, %mul3A_36 : i32
        %add3A = arith.constant 0 : i32
        %add3A_38 = arith.addi %add3A, %mul3A_37 : i32
        %scan3A_39 = arith.constant 0 : i32
        %scan3A_40 = arith.constant 2 : i32
        %scan3A_41 = arith.addi %scan3A_39, %scan3A_40 : i32
        %scan3A_42 = arith.constant 1 : i32
        scf.for %scan3A_44 = %scan3A_39 to %scan3A_41 step %scan3A_42  : i32 {
          %mul3A_45 = arith.constant 16 : i32
          %mul3A_46 = arith.muli %scan3A_44, %mul3A_45 : i32
          %add3A_47 = arith.constant 0 : i32
          %add3A_48 = arith.addi %add3A_47, %mul3A_46 : i32
          %broadcast_in_dim3A = arith.constant 0.000000e+00 : f32
          %broadcast_in_dim3A_49 = vector.broadcast %broadcast_in_dim3A : f32 to vector<16xf32>
          %swap3A = arith.index_cast %add3A_38 : i32 to index
          %swap3A_50 = arith.index_cast %add3A_48 : i32 to index
          %swap3A_51 = tpu.vector_load %arg9[%swap3A, %swap3A_50] {strides = array<i32>} : memref<512x32xf32, #tpu.memory_space<vmem>>, vector<1x16xf32>,
          %swap3A_52 = vector.shape_cast %swap3A_51 : vector<1x16xf32> to vector<16xf32>
          %swap3A_53 = vector.shape_cast %broadcast_in_dim3A_49 : vector<16xf32> to vector<1x16xf32>
          tpu.vector_store %arg9[%swap3A, %swap3A_50], %swap3A_53 {strides = array<i32>} : memref<512x32xf32, #tpu.memory_space<vmem>>, vector<1x16xf32>,
        }
        %scan3A_43 = arith.constant 2 : i32
      }
      %scan3A_34 = arith.constant 8 : i32
      "tpu.region"() ({
        %run_scoped3A = tpu.sem_alloc : memref<!tpu.dma_semaphore, #tpu.memory_space<semaphore_mem>>
        %dma_start3A = arith.constant 0 : i32
        %dma_start3A_35 = arith.constant 0 : i32
        %dma_start3A_36 = tpu.memref_slice %arg9[%dma_start3A, %dma_start3A_35] : memref<512x32xf32, #tpu.memory_space<vmem>> -> memref<8x32xf32, #tpu.memory_space<vmem>>
        %dma_start3A_37 = arith.constant 100000 : i32
        %dma_start3A_38 = arith.constant 0 : i32
        %dma_start3A_39 = tpu.memref_slice %arg5[%dma_start3A_37, %dma_start3A_38] : memref<100008x32xf32, #tpu.memory_space<hbm>> -> memref<8x32xf32, #tpu.memory_space<hbm>>
        %dma_start3A_40 = arith.constant 100000 : i32
        %dma_start3A_41 = arith.constant 0 : i32
        %dma_start3A_42 = tpu.memref_slice %arg5[%dma_start3A_40, %dma_start3A_41] : memref<100008x32xf32, #tpu.memory_space<hbm>> -> memref<8x32xf32, #tpu.memory_space<hbm>>
        %dma_start3A_43 = arith.constant 0 : i32
        %dma_start3A_44 = arith.constant 0 : i32
        %dma_start3A_45 = tpu.memref_slice %arg9[%dma_start3A_43, %dma_start3A_44] : memref<512x32xf32, #tpu.memory_space<vmem>> -> memref<8x32xf32, #tpu.memory_space<vmem>>
        tpu.enqueue_dma source(%dma_start3A_45 : memref<8x32xf32, #tpu.memory_space<vmem>>) target(%dma_start3A_42 : memref<8x32xf32, #tpu.memory_space<hbm>>) target_semaphore(%run_scoped3A : memref<!tpu.dma_semaphore, #tpu.memory_space<semaphore_mem>>)
        %dma_wait3A = arith.constant 0 : i32
        %dma_wait3A_46 = arith.constant 0 : i32
        %dma_wait3A_47 = tpu.memref_slice %arg9[%dma_wait3A, %dma_wait3A_46] : memref<512x32xf32, #tpu.memory_space<vmem>> -> memref<8x32xf32, #tpu.memory_space<vmem>>
        %dma_wait3A_48 = arith.constant 100000 : i32
        %dma_wait3A_49 = arith.constant 0 : i32
        %dma_wait3A_50 = tpu.memref_slice %arg5[%dma_wait3A_48, %dma_wait3A_49] : memref<100008x32xf32, #tpu.memory_space<hbm>> -> memref<8x32xf32, #tpu.memory_space<hbm>>
        %dma_wait3A_51 = arith.constant 100000 : i32
        %dma_wait3A_52 = arith.constant 0 : i32
        %dma_wait3A_53 = tpu.memref_slice %arg5[%dma_wait3A_51, %dma_wait3A_52] : memref<100008x32xf32, #tpu.memory_space<hbm>> -> memref<8x32xf32, #tpu.memory_space<hbm>>
        %dma_wait3A_54 = arith.constant 0 : i32
        %dma_wait3A_55 = arith.constant 0 : i32
        %dma_wait3A_56 = tpu.memref_slice %arg9[%dma_wait3A_54, %dma_wait3A_55] : memref<512x32xf32, #tpu.memory_space<vmem>> -> memref<8x32xf32, #tpu.memory_space<vmem>>
        tpu.wait_dma2 semaphore(%run_scoped3A : memref<!tpu.dma_semaphore, #tpu.memory_space<semaphore_mem>>) src(%dma_wait3A_56 : memref<8x32xf32, #tpu.memory_space<vmem>>) dst(%dma_wait3A_53 : memref<8x32xf32, #tpu.memory_space<hbm>>)
        tpu.yield
      }) : () -> ()
    } else {
    }
    return
  }
}

</mosaic_0001>

<sc_bundles>
// kernel: kernel.4.cloned.1.call-start
scs
__scs_entry_jumppad:
0x0: {  	(pc) =	sbr.rel $0x88, $3  }
0x1: {  	(tag) =	ssettag $0x0;
	lr =	simm.s32 $0x1  }
0x2: {  	[smem:$0x3F9E] =	sst lr;
	_ =	strace $0xD0000000  }
0x3: {  	_ = 	snop  }
0x4: {  	_ = 	snop  }
0x5: {  	_ = 	snop  }
0x6: {  	_ = 	snop  }
0x7: {  	_ = 	snop  }
__scs_overlays_trampoline_lowered:
0x8: {  	[smem:$0x3FAD] =	sst s0  }
0x9: {  	[smem:$0x3FAE] =	sst s1  }
0xa: {  	[smem:$0x3FAF] =	sst s2  }
0xb: {  	[smem:$0x3FB0] =	sst s3  }
0xc: {  	[smem:$0x3FB1] =	sst s4  }
0xd: {  	[smem:$0x3FB2] =	sst s5  }
0xe: {  	[smem:$0x3FB3] =	sst s6  }
0xf: {  	[smem:$0x3FB4] =	sst s7  }
0x10: {  	[smem:$0x3FB5] =	sst s8  }
0x11: {  	[smem:$0x3FB6] =	sst s9;
	s0 =	simm.s32 @!p0 $0x0  }
0x12: {  	s1 =	sld [smem:$0x3F9C];
	s0 =	simm.s32 @p0 $0x1  }
0x13: {  	[smem:$0x3FB7] =	sst s0;
	s0 =	simm.s32 @!p1 $0x0  }
0x14: {  	s2 =	sld [smem:$0x3F9B];
	s0 =	simm.s32 @p1 $0x1  }
0x15: {  	[smem:$0x3FB8] =	sst s0;
	s0 =	simm.s32 @!p2 $0x0  }
0x16: {  	s3 =	sld [smem:$0x3FDB];
	s0 =	simm.s32 @p2 $0x1  }
0x17: {  	s4 =	simm.s32 $0x1BF5;
	[smem:$0x3FBA] =	sst s0  }
0x18: {  	s0 =	sld [smem:$0x3F9D];
	_ =	swait.ge [sflag:s4], $0x0  }
0x19: {  	s7 =	sld [smem:$0x3F9E]  }
0x1a: {  	s8 =	sadd.s32 $0xFFFFE003, lr  }
0x1b: {  	s9 =	sadd.s32 $0xFFFFFEF7, lr;
	s5 =	simm.s32 $0xFFFFFFFF;
	p2 =	slt.u32 s8, $0xFFFFF086  }
0x1c: {  	p1 =	slt.u32 s9, $0xF7A;
	s5 =	simm.s32 @!p2 $0x0  }
0x1d: {  	s5 =	simm.s32 @p1 $0x1;
	p0 =	seq.s32 s7, s2  }
0x1e: {  	s7 =	smul.u32 @!p0 $0xF7A, s2;
	p2 =	seq.s32 @!p0 s5, $0x0  }
0x1f: {  	s9 =	smul.u32 $0xF7A, s1;
	s8 =	simm.s32 @!p0 $0x1BF5;
	p2 =	por !p2, p0  }
0x20: {  	[sflag:s8] =	ssyncset.s32 @!p0 $0xFFFFF086;
	s6 =	sadd.s32 @!p0 s3, s7;
	s7 =	simm.s32 @!p0 $0x108  }
0x21: {  	s3 =	sadd.s32 s3, s9;
	s6 =	sadd.s32 @!p0 $0x88, s6;
	s7 =	simm.s32 @p2 $0x1082  }
0x22: {  	[simem:s7], [sflag:s8] =	dma.local @!p0 [hbm:s6], $0xF7A  }
0x23: {  	s9 =	sor.u32 $0xD0000000, s2;
	s6 =	simm.s32 $0x108;
	_ =	swait.ge @!p0 [sflag:s8], $0x0  }
0x24: {  	s3 =	sadd.s32 $0x88, s3;
	s6 =	simm.s32 @!p1 $0x1082;
	[sflag:s4] =	ssyncset.s32 $0xFFFFF086  }
0x25: {  	[simem:s6], [sflag:s4] =	dma.local [hbm:s3], $0xF7A  }
0x26: {  	[smem:$0x3F9E] =	sst s1;
	(tag) =	ssettag s2;
	_ =	strace s9  }
0x27: {  	s1 =	sld [smem:$0x3FAE]  }
0x28: {  	s2 =	sld [smem:$0x3FAF]  }
0x29: {  	s4 =	sld [smem:$0x3FB1]  }
0x2a: {  	p0 =	seq.s32 s5, $0x0;
	s5 =	sld [smem:$0x3FB2]  }
0x2b: {  	s6 =	sld [smem:$0x3FB3]  }
0x2c: {  	s7 =	sld [smem:$0x3FB4]  }
0x2d: {  	s3 =	simm.s32 $0x108;
	s8 =	sld [smem:$0x3FB5]  }
0x2e: {  	s3 =	simm.s32 @!p0 $0x1082;
	s9 =	sld [smem:$0x3FB6]  }
0x2f: {  	lr =	sadd.s32 s0, s3;
	s0 =	sld [smem:$0x3FAD]  }
0x30: {  	s3 =	sld [smem:$0x3FB0]  }
0x31: {  	[smem:$0x3FB9] =	sst s10  }
0x32: {  	s10 =	sld [smem:$0x3FB7];
	_ =	sdelay $0x3  }
0x33: {  	p0 =	seq.s32 s10, $0x1;
	s10 =	sld [smem:$0x3FB9];
	_ =	sdelay $0x3  }
0x34: {  	[smem:$0x3FB9] =	sst s10  }
0x35: {  	s10 =	sld [smem:$0x3FB8];
	_ =	sdelay $0x3  }
0x36: {  	p1 =	seq.s32 s10, $0x1;
	s10 =	sld [smem:$0x3FB9];
	_ =	sdelay $0x3  }
0x37: {  	[smem:$0x3FB9] =	sst s10  }
0x38: {  	s10 =	sld [smem:$0x3FBA]  }
0x39: {  	_ = 	snop;
	(pc) =	sbr.ind lr, $3  }
0x3a: {  	_ = 	snop  }
0x3b: {  	_ = 	snop  }
0x3c: {  	p2 =	seq.s32 s10, $0x1;
	s10 =	sld [smem:$0x3FB9]  }
0x3d: {  	_ =	shalt  }
0x3e: {  	_ =	shalt  }
0x3f: {  	_ =	shalt  }
0x40: {  	_ =	shalt  }
0x41: {  	_ =	shalt  }
0x42: {  	_ =	shalt  }
0x43: {  	_ =	shalt  }
0x44: {  	_ =	shalt  }
0x45: {  	_ =	shalt  }
0x46: {  	_ =	shalt  }
0x47: {  	_ =	shalt  }
0x48: {  	_ =	shalt  }
0x49: {  	_ =	shalt  }
0x4a: {  	_ =	shalt  }
0x4b: {  	_ =	shalt  }
0x4c: {  	_ =	shalt  }
0x4d: {  	_ =	shalt  }
0x4e: {  	_ =	shalt  }
0x4f: {  	_ =	shalt  }
0x50: {  	_ =	shalt  }
0x51: {  	_ =	shalt  }
0x52: {  	_ =	shalt  }
0x53: {  	_ =	shalt  }
0x54: {  	_ =	shalt  }
0x55: {  	_ =	shalt  }
0x56: {  	_ =	shalt  }
0x57: {  	_ =	shalt  }
0x58: {  	_ =	shalt  }
0x59: {  	_ =	shalt  }
0x5a: {  	_ =	shalt  }
0x5b: {  	_ =	shalt  }
0x5c: {  	_ =	shalt  }
0x5d: {  	_ =	shalt  }
0x5e: {  	_ =	shalt  }
0x5f: {  	_ =	shalt  }
0x60: {  	_ =	shalt  }
0x61: {  	_ =	shalt  }
0x62: {  	_ =	shalt  }
0x63: {  	_ =	shalt  }
0x64: {  	_ =	shalt  }
0x65: {  	_ =	shalt  }
0x66: {  	_ =	shalt  }
0x67: {  	_ =	shalt  }
0x68: {  	_ =	shalt  }
0x69: {  	_ =	shalt  }
0x6a: {  	_ =	shalt  }
0x6b: {  	_ =	shalt  }
0x6c: {  	_ =	shalt  }
0x6d: {  	_ =	shalt  }
0x6e: {  	_ =	shalt  }
0x6f: {  	_ =	shalt  }
0x70: {  	_ =	shalt  }
0x71: {  	_ =	shalt  }
0x72: {  	_ =	shalt  }
0x73: {  	_ =	shalt  }
0x74: {  	_ =	shalt  }
0x75: {  	_ =	shalt  }
0x76: {  	_ =	shalt  }
0x77: {  	_ =	shalt  }
0x78: {  	_ =	shalt  }
0x79: {  	_ =	shalt  }
0x7a: {  	_ =	shalt  }
0x7b: {  	_ =	shalt  }
0x7c: {  	_ =	shalt  }
0x7d: {  	_ =	shalt  }
0x7e: {  	_ =	shalt  }
0x7f: {  	_ =	shalt  }
0x80: {  	_ =	shalt  }
0x81: {  	_ =	shalt  }
0x82: {  	_ =	shalt  }
0x83: {  	_ =	shalt  }
0x84: {  	_ =	shalt  }
0x85: {  	_ =	shalt  }
0x86: {  	_ =	shalt  }
0x87: {  	_ =	shalt  }
.Lfunc_end0:
.L_simem_size_0:
called_computation_lowered:
.L_overlay_start_0:
0x88: {  	s2 =	sld [smem:$0x3FD9]  }
0x89: {  	s3 =	sld [smem:$0x3FFE];
	_ =	sdelay $0x1  }
0x8a: {  	s1 =	srdreg.scid  }
0x8b: {  	s0 =	sand.u32 $0x1, s1  }
0x8c: {  	s17 =	sshll.u32 s0, $0xA;
	s2 =	sadd.s32 s3, s2  }
0x8d: {  	s2 =	sadd.s32 s2, s17  }
0x8e: {  	[smem:$0x3FC5] =	sst s2  }
0x8f: {  	_ = 	snop  }
0x90: {  	s2 =	sld [smem:$0x3FD0];
	(tm) =	ssettm $0x1  }
0x91: {  	s18 =	sld [smem:$0x3FFB];
	_ =	sdelay $0x3  }
0x92: {  	_ =	strace s18  }
0x93: {  	s3 =	sld [smem:$0x3FFC];
	_ =	sdelay $0x3  }
0x94: {  	_ =	strace s3  }
0x95: {  	s3 =	sld [smem:$0x3FFD];
	_ =	sdelay $0x3  }
0x96: {  	_ =	strace s3  }
0x97: {  	_ =	strace $0x8FFFFFFF  }
0x98: {  	s19 =	sld [smem:$0x3FDB];
	_ =	sdelay $0x1  }
0x99: {  	s4 =	simm.s32 $_scs_section_size  }
0x9a: {  	s5 =	simm.s32 $_size__tile_overlayer_lowered;
	s6 =	simm.s32 $_tile_overlayer_lowered  }
0x9b: {  	s22 =	simm.s32 $0x1BFF;
	s21 =	sshll.u32 s6, $0x1;
	s3 =	sadd.s32 s4, s19  }
0x9c: {  	s7 =	simm.s32 $0x0;
	s20 =	sshll.u32 s5, $0x1;
	s5 =	sadd.s32 s21, s3  }
0x9d: {  	[timem:s7], [sflag:s22] =	dma.local [hbm:s5], s20  }
0x9e: {  	_ =	swait.ge [sflag:s22], s20  }
0x9f: {  	s4 =	ssub.s32 $0x0, s20;
	[sflag:s22] =	ssyncset.done $0x0  }
0xa0: {  	[sflag:s22] =	ssyncadd.s32 s4;
	_ =	sdelay $0x1  }
0xa1: {  	s23 =	simm.s32 $0x1B8B  }
0xa2: {  	_ =	swait.ge [sflag:s23], $0x1  }
0xa3: {  	[sflag:s23] =	ssyncset.done $0x0  }
0xa4: {  	s25 =	simm.s32 $0x1B8E;
	s24 =	sld [smem:$0x3FFE];
	[sflag:s23] =	ssyncadd.s32 $0xFFFFFFFF  }
0xa5: {  	s26 =	simm.s32 $execute0_lowered;
	[smem:$0x3FD2] =	sst s25  }
0xa6: {  	s5 =	sshll.u32 s26, $0x1;
	_ =	strace $0x80000046;
	[dreg:$0x1] =	wrdreg $0xFFFFFFFF  }
0xa7: {  	s28 =	simm.s32 $_size_execute0_lowered;
	s3 =	sadd.s32 s3, s5;
	[dreg:$0x0] =	wrdreg $0x0  }
0xa8: {  	s5 =	sshll.u32 s28, $0x1;
	[dreg:$0x2] =	wrdreg s3  }
0xa9: {  	[dreg:$0x3] =	wrdreg s5  }
0xaa: {  	[dreg:$0x4] =	wrdreg $0xC0  }
0xab: {  	_ =	task [dreg:s7], $0x5FFFF  }
0xac: {  	[dreg:$0x1] =	wrdreg $0xFFFFFFFF  }
0xad: {  	[dreg:$0x0] =	wrdreg $0x60  }
0xae: {  	[dreg:$0x2] =	wrdreg s2  }
0xaf: {  	[dreg:$0x3] =	wrdreg s24  }
0xb0: {  	[dreg:$0x4] =	wrdreg $0x46000  }
0xb1: {  	[dreg:$0x5] =	wrdreg $0x9  }
0xb2: {  	_ =	task.clear_ibuf [dreg:s7], $0x6FFFF;
	_ =	strace $0x90000046  }
0xb3: {  	s29 =	simm.s32 $0x9;
	_ =	strace $0x80000048  }
0xb4: {  	_ =	swait.ge [sflag:s29], $0x1  }
0xb5: {  	[sflag:s29] =	ssyncadd.s32 $0xFFFFFFFF  }
0xb6: {  	_ =	strace $0x90000048  }
0xb7: {  	_ =	sfence  }
0xb8: {  	s30 =	sld [smem:$0x0];
	_ =	sdelay $0x2  }
0xb9: {  	s31 =	sshll.u32 s1, $0xD;
	s1 =	sshrl.u32 s1, $0x2  }
0xba: {  	s3 =	sand.u32 $0x4000, s31;
	s1 =	sadd.s32 s1, s30  }
0xbb: {  	s0 =	sor.u32 s3, s0;
	s1 =	sshll.u32 s1, $0x11  }
0xbc: {  	s0 =	sor.u32 s1, s0  }
0xbd: {  	s0 =	sadd.s32 $0x8F2B, s0  }
0xbe: {  	[sflag:s0] =	ssyncadd.remote.s32 $0x1  }
0xbf: {  	_ =	sfence.sel $0xFFFF  }
0xc0: {  	[dreg:$0x0] =	wrdreg $0xFFFFFFFF;
	(pc) =	sbr.abs _section_cstart, $3  }
0xc1: {  	[dreg:$0x1] =	wrdreg $0xFFFFFFFF  }
0xc2: {  	_ =	task.clear_ibuf [dreg:s7], $0x2FFFF;
	_ =	strace $0x9FFFFFFF  }
0xc3: {  	(tm) =	ssettm $0x7FFFFFFF  }
tec
execute0_lowered:
.L_overlay_start_1:
0x0: {  	(tag) =	ssettag $0x1  }
0x1: {  	s2 =	rddreg [dreg:$0x0]  }
0x2: {  	s0 =	rddreg [dreg:$0x1]  }
0x3: {  	s3 =	rddreg [dreg:$0x2];
	s1 =	stileid.u32;
	s4 =	simm.s32 $0x0  }
0x4: {  	s6 =	srdreg.scid;
	s28 =	simm.s32 $0x300;
	s29 =	simm.s32 $0x2600  }
0x5: {  	s30 =	simm.s32 $0x500;
	s31 =	simm.s32 $0x380;
	s5 =	smul.u32 $0x3200, s1  }
0x6: {  	[smem:$0x7FF] =	sst s4;
	s6 =	sand.u32 $0x1, s6;
	s9 =	smul.u32 $0x62000, s1  }
0x7: {  	p1 =	seq.s32 s1, $0xF;
	_ =	strace $0x80000047;
	s7 =	ssub.s32 $0x2, s6  }
0x8: {  	p0 =	seq.s32 s6, $0x1;
	s6 =	smul.u32 $0xC350, s6;
	s8 =	sadd.s32 s5, s0  }
0x9: {  	s5 =	sadd.s32 $0x65800, s0;
	s10 =	sshrl.u32 s7, $0x1;
	p0 =	por !p1, !p0  }
0xa: {  	s19 =	sshrl.u32 s9, $0x2;
	s0 =	sadd.s32 $0xC7280, s0;
	s9 =	simm.s32 $0x2  }
0xb: {  	s10 =	ssub.s32 s7, s10;
	p0 =	por !p0, !p0;
	s7 =	sadd.s32 s19, s3  }
0xc: {  	[dreg:$0x4] =	wrdreg s0;
	s17 =	sadd.s32 $0x33800, s8;
	s20 =	smax.u32 s10, $0x1  }
0xd: {  	s18 =	sadd.s32 $0x1800, s8;
	s21 =	sadd.s32 $0x3100, s7;
	[dreg:$0x5] =	wrdreg s20  }
0xe: {  	s19 =	simm.s32 $0x600;
	s22 =	sadd.s32 $0x6200, s7;
	[dreg:$0x6] =	wrdreg s21  }
0xf: {  	s0 =	simm.s32 $0x3600;
	s23 =	sadd.s32 $0x9300, s7;
	[dreg:$0x7] =	wrdreg s22  }
0x10: {  	s8 =	simm.s32 $0x580;
	s24 =	sadd.s32 $0xC400, s7;
	[dreg:$0x8] =	wrdreg s23  }
.Ltmp0:
0x11: {  	s25 =	sadd.s32 $0xF500, s7;
	[dreg:$0x9] =	wrdreg s24;
	(pc) =	sbr.rel .LBB2_1-.Ltmp0, $4  }
0x12: {  	s26 =	sadd.s32 $0x12600, s7;
	s16 =	sadd.s32 $0x15700, s7;
	[dreg:$0xa] =	wrdreg s25  }
0x13: {  	s10 =	simm.s32 $0x0;
	[dreg:$0xb] =	wrdreg s26;
	s20 =	simm.s32 $0x1  }
0x14: {  	s21 =	simm.s32 $0x200;
	s22 =	simm.s32 $0x80;
	s23 =	simm.s32 $0x400  }
0x15: {  	v1 =	vimm.f32 $0.0e+00;
	v0 =	vmov s6;
	s24 =	simm.s32 $0x280;
	s25 =	simm.s32 $0x1600;
	s26 =	simm.s32 $0x480  }
.LBB2_13:
0x16: {  	v2 =	vimm.f32 @p0 $0.0e+00  }
0x17: {  	[tilespmem:$0x600] =	vst @p0 v2  }
0x18: {  	[tilespmem:$0x610] =	vst @p0 v2  }
0x19: {  	[tilespmem:$0x620] =	vst @p0 v2  }
0x1a: {  	[tilespmem:$0x630] =	vst @p0 v2  }
0x1b: {  	[tilespmem:$0x640] =	vst @p0 v2  }
0x1c: {  	[tilespmem:$0x650] =	vst @p0 v2  }
0x1d: {  	[tilespmem:$0x660] =	vst @p0 v2  }
0x1e: {  	[tilespmem:$0x670] =	vst @p0 v2  }
0x1f: {  	[tilespmem:$0x680] =	vst @p0 v2  }
0x20: {  	[tilespmem:$0x690] =	vst @p0 v2  }
0x21: {  	[tilespmem:$0x6A0] =	vst @p0 v2  }
0x22: {  	[tilespmem:$0x6B0] =	vst @p0 v2  }
0x23: {  	[tilespmem:$0x6C0] =	vst @p0 v2  }
0x24: {  	[tilespmem:$0x6D0] =	vst @p0 v2  }
0x25: {  	[tilespmem:$0x6E0] =	vst @p0 v2  }
0x26: {  	s11 =	simm.s32 @p0 $0x0;
	s12 =	simm.s32 @p0 $0x600;
	s13 =	rddreg [dreg:$0x4];
	[tilespmem:$0x6F0] =	vst @p0 v2  }
0x27: {  	[hbm4b:s13+s11] =	stream.linear.scatter @p0 [tilespmem:s12], [sflag:$0x1], $0x100, $0x38;
	[tilespmem:$0x1CE00] =	vst v63  }
0x28: {  	s11 =	simm.s32 @p0 $0x1  }
0x29: {  	_ =	swait.ge @p0 [sflag:s11], $0x100  }
0x2a: {  	s10 =	sadd.s32 $0x1, s10;
	s15 =	rddreg [dreg:$0x5]  }
0x2b: {  	p1 =	sne.s32 s10, s15  }
.Ltmp1:
0x2c: {  	_ = 	snop;
	(pc) =	sbr.rel @!p1 .LBB2_14-.Ltmp1, $3  }
0x2d: {  	_ =	sdelay $0x1  }
0x2e: {  	[sflag:s11] =	ssyncset.done @p0 $0x0  }
0x2f: {  	[sflag:s11] =	ssyncadd.s32 @p0 $0xFFFFFF00  }
.LBB2_1:
0x30: {  	s11 =	simm.s32 $0x80;
	s12 =	simm.s32 $0x0  }
.LBB2_2:
0x31: {  	p1 =	sne.s32 s11, $0xFF80;
	[tilespmem:s12+$0x600] =	vst v1;
	s13 =	smov.u32 s11;
	s11 =	sadd.s32 $0x80, s11  }
.Ltmp2:
0x32: {  	[tilespmem:s12+$0x610] =	vst v1;
	(pc) =	sbr.rel @p1 .LBB2_2-.Ltmp2, $2  }
0x33: {  	_ =	sdelay $0x2  }
0x34: {  	s12 =	sshra.s32 s13, $0x2  }
0x35: {  	[tilespmem:s12+$0x600] =	vst v1  }
0x36: {  	[tilespmem:s12+$0x610] =	vst v1  }
0x37: {  	[spmem:s7] =	stream.linear.scatter [tilespmem:s19], [sflag:$0x1], $0x3100, $0x38;
	[tilespmem:$0x1CE00] =	vst v63  }
0x38: {  	_ =	swait.ge [sflag:s20], $0x3100  }
0x39: {  	[sflag:s20] =	ssyncset.done $0x0  }
0x3a: {  	s11 =	rddreg [dreg:$0x6];
	[sflag:s20] =	ssyncadd.s32 $0xFFFFCF00  }
0x3b: {  	[spmem:s11] =	stream.linear.scatter [tilespmem:s19], [sflag:$0x1], $0x3100, $0x38;
	[tilespmem:$0x1CE00] =	vst v63  }
0x3c: {  	_ =	swait.ge [sflag:s20], $0x3100  }
0x3d: {  	[sflag:s20] =	ssyncset.done $0x0  }
0x3e: {  	s15 =	rddreg [dreg:$0x7];
	[sflag:s20] =	ssyncadd.s32 $0xFFFFCF00  }
0x3f: {  	[spmem:s15] =	stream.linear.scatter [tilespmem:s19], [sflag:$0x1], $0x3100, $0x38;
	[tilespmem:$0x1CE00] =	vst v63  }
0x40: {  	_ =	swait.ge [sflag:s20], $0x3100  }
0x41: {  	[sflag:s20] =	ssyncset.done $0x0  }
0x42: {  	s12 =	rddreg [dreg:$0x8];
	[sflag:s20] =	ssyncadd.s32 $0xFFFFCF00  }
0x43: {  	[spmem:s12] =	stream.linear.scatter [tilespmem:s19], [sflag:$0x1], $0x3100, $0x38;
	[tilespmem:$0x1CE00] =	vst v63  }
0x44: {  	_ =	swait.ge [sflag:s20], $0x3100  }
0x45: {  	[sflag:s20] =	ssyncset.done $0x0  }
0x46: {  	s13 =	rddreg [dreg:$0x9];
	[sflag:s20] =	ssyncadd.s32 $0xFFFFCF00  }
0x47: {  	[spmem:s13] =	stream.linear.scatter [tilespmem:s19], [sflag:$0x1], $0x3100, $0x38;
	[tilespmem:$0x1CE00] =	vst v63  }
0x48: {  	_ =	swait.ge [sflag:s20], $0x3100  }
0x49: {  	[sflag:s20] =	ssyncset.done $0x0  }
0x4a: {  	s14 =	rddreg [dreg:$0xa];
	[sflag:s20] =	ssyncadd.s32 $0xFFFFCF00  }
0x4b: {  	[spmem:s14] =	stream.linear.scatter [tilespmem:s19], [sflag:$0x1], $0x3100, $0x38;
	[tilespmem:$0x1CE00] =	vst v63  }
0x4c: {  	_ =	swait.ge [sflag:s20], $0x3100  }
0x4d: {  	[sflag:s20] =	ssyncset.done $0x0  }
0x4e: {  	s15 =	rddreg [dreg:$0xb];
	[sflag:s20] =	ssyncadd.s32 $0xFFFFCF00  }
0x4f: {  	[spmem:s15] =	stream.linear.scatter [tilespmem:s19], [sflag:$0x1], $0x3100, $0x38;
	[tilespmem:$0x1CE00] =	vst v63  }
0x50: {  	_ =	swait.ge [sflag:s20], $0x3100  }
0x51: {  	[sflag:s20] =	ssyncset.done $0x0  }
0x52: {  	[sflag:s20] =	ssyncadd.s32 $0xFFFFCF00  }
0x53: {  	[spmem:s16] =	stream.linear.scatter [tilespmem:s19], [sflag:$0x1], $0x3100, $0x38;
	[tilespmem:$0x1CE00] =	vst v63  }
0x54: {  	_ =	swait.ge [sflag:s20], $0x3100  }
0x55: {  	[sflag:s20] =	ssyncset.done $0x0  }
0x56: {  	[sflag:s20] =	ssyncadd.s32 $0xFFFFCF00  }
0x57: {  	s11 =	sadd.s32 $0x0, s18;
	s12 =	simm.s32 $0x0;
	[bflag:$0x0] =	sbarrier.arrive $0xFFFF  }
0x58: {  	[tilespmem:s12], [sflag:$0x1] =	stream.linear.gather [hbm4b:s11+s12], $0x200, $0x38;
	[tilespmem:$0x1CE00] =	vst v63  }
0x59: {  	_ =	swait.ge [sflag:s20], $0x200  }
0x5a: {  	[sflag:s20] =	ssyncset.done $0x0  }
0x5b: {  	s13 =	simm.s32 $0x40;
	s14 =	sadd.s32 $0x0, s17;
	[sflag:s20] =	ssyncadd.s32 $0xFFFFFE00  }
.LBB2_4:
0x5c: {  	[tilespmem:s21], [sflag:$0x1] =	stream.linear.gather [hbm4b:s14+s12], $0x200, $0x38;
	[tilespmem:$0x1CE00] =	vst v63  }
0x5d: {  	s14 =	smov.u32 s13  }
0x5e: {  	p1 =	sne.s32 s13, $0x31C0;
	s13 =	sadd.s32 $0x40, s13;
	_ =	swait.ge [sflag:s20], $0x200  }
0x5f: {  	[sflag:s20] =	ssyncset.done $0x0  }
0x60: {  	[sflag:s20] =	ssyncadd.s32 $0xFFFFFE00  }
0x61: {  	v2 =	vld [tilespmem:$0xB0]  }
0x62: {  	v3 =	vld [tilespmem:$0x0]  }
0x63: {  	v4 =	vld [tilespmem:$0x30]  }
0x64: {  	v5 =	vld [tilespmem:$0xC0]  }
0x65: {  	v6 =	vld [tilespmem:$0xD0]  }
0x66: {  	v7 =	vld [tilespmem:$0xE0]  }
0x67: {  	v3 =	vsub.s32 v3, v0;
	v8 =	vld [tilespmem:$0xF0]  }
0x68: {  	v2 =	vsub.s32 v2, v0;
	v3 =	vmin.u32 v3, $0xC350;
	v4 =	vsub.s32 v4, v0;
	v9 =	vld [tilespmem:$0x100]  }
0x69: {  	v2 =	vmin.u32 v2, $0xC350;
	[tilespmem:$0x400] =	vst v3;
	v3 =	vmin.u32 v4, $0xC350;
	v4 =	vsub.s32 v5, v0;
	v5 =	vld [tilespmem:$0x110]  }
0x6a: {  	[tilespmem:$0x4B0] =	vst v2;
	v2 =	vmin.u32 v4, $0xC350;
	v4 =	vsub.s32 v6, v0;
	v6 =	vld [tilespmem:$0x1E0]  }
0x6b: {  	v10 =	vld [tilespmem:$0x20];
	[tilespmem:$0x430] =	vst v3;
	v3 =	vmin.u32 v4, $0xC350;
	v4 =	vsub.s32 v7, v0  }
0x6c: {  	[tilespmem:$0x4D0] =	vst v3;
	v3 =	vmin.u32 v4, $0xC350;
	v4 =	vsub.s32 v8, v0;
	v7 =	vld [tilespmem:$0x120]  }
0x6d: {  	[tilespmem:$0x4C0] =	vst v2;
	v2 =	vmin.u32 v4, $0xC350;
	v4 =	vsub.s32 v9, v0;
	v8 =	vld [tilespmem:$0x150]  }
0x6e: {  	[tilespmem:$0x4F0] =	vst v2;
	v2 =	vmin.u32 v4, $0xC350;
	v4 =	vsub.s32 v5, v0;
	v5 =	vld [tilespmem:$0x160]  }
0x6f: {  	v4 =	vmin.u32 v4, $0xC350;
	v9 =	vld [tilespmem:$0x130];
	v6 =	vsub.s32 v6, v0  }
0x70: {  	v10 =	vsub.s32 v10, v0;
	[tilespmem:$0x510] =	vst v4;
	v4 =	vld [tilespmem:$0x170];
	v6 =	vmin.u32 v6, $0xC350  }
0x71: {  	v10 =	vmin.u32 v10, $0xC350;
	[tilespmem:$0x500] =	vst v2;
	v2 =	vsub.s32 v7, v0;
	v7 =	vld [tilespmem:$0x180]  }
0x72: {  	[tilespmem:$0x420] =	vst v10;
	v2 =	vmin.u32 v2, $0xC350;
	v10 =	vld [tilespmem:$0x140];
	v8 =	vsub.s32 v8, v0  }
0x73: {  	[tilespmem:$0x4E0] =	vst v3;
	v3 =	vmin.u32 v8, $0xC350;
	v5 =	vsub.s32 v5, v0;
	v8 =	vld [tilespmem:$0x190]  }
0x74: {  	v9 =	vsub.s32 v9, v0;
	[tilespmem:$0x550] =	vst v3;
	v3 =	vmin.u32 v5, $0xC350;
	v5 =	vld [tilespmem:$0x1C0]  }
0x75: {  	v9 =	vmin.u32 v9, $0xC350;
	v4 =	vsub.s32 v4, v0;
	v11 =	vld [tilespmem:$0x1D0];
	[tilespmem:$0x5E0] =	vst v6  }
0x76: {  	[tilespmem:$0x530] =	vst v9;
	v4 =	vmin.u32 v4, $0xC350;
	v6 =	vsub.s32 v7, v0;
	v7 =	vld [tilespmem:$0x1B0]  }
0x77: {  	v9 =	vsub.s32 v10, v0;
	[tilespmem:$0x560] =	vst v3;
	v3 =	vmin.u32 v6, $0xC350;
	v6 =	vld [tilespmem:$0x1A0]  }
0x78: {  	v10 =	vld [tilespmem:$0x50];
	v9 =	vmin.u32 v9, $0xC350;
	[tilespmem:$0x580] =	vst v3;
	v3 =	vsub.s32 v8, v0  }
0x79: {  	v8 =	vld [tilespmem:$0x40];
	[tilespmem:$0x540] =	vst v9;
	v3 =	vmin.u32 v3, $0xC350;
	v5 =	vsub.s32 v5, v0  }
0x7a: {  	v9 =	vld [tilespmem:$0x80];
	[tilespmem:$0x590] =	vst v3;
	v3 =	vmin.u32 v5, $0xC350;
	v5 =	vsub.s32 v11, v0  }
0x7b: {  	v7 =	vsub.s32 v7, v0;
	[tilespmem:$0x5C0] =	vst v3;
	v3 =	vmin.u32 v5, $0xC350;
	v5 =	vld [tilespmem:$0x1F0]  }
0x7c: {  	v11 =	vld [tilespmem:$0x60];
	[tilespmem:$0x570] =	vst v4;
	v4 =	vsub.s32 v6, v0;
	v6 =	vmin.u32 v7, $0xC350  }
0x7d: {  	v7 =	vld [tilespmem:$0x10];
	v10 =	vsub.s32 v10, v0;
	v4 =	vmin.u32 v4, $0xC350;
	[tilespmem:$0x5B0] =	vst v6  }
0x7e: {  	v6 =	vsub.s32 v8, v0;
	v8 =	vmin.u32 v10, $0xC350;
	v10 =	vld [tilespmem:$0x70];
	[tilespmem:$0x520] =	vst v2  }
0x7f: {  	v2 =	vmin.u32 v6, $0xC350;
	v6 =	vsub.s32 v9, v0;
	v9 =	vld [tilespmem:$0x90];
	[tilespmem:$0x5D0] =	vst v3  }
0x80: {  	[tilespmem:$0x440] =	vst v2;
	v2 =	vmin.u32 v6, $0xC350;
	v3 =	vld [tilespmem:$0xA0];
	v5 =	vsub.s32 v5, v0  }
0x81: {  	v6 =	vsub.s32 v11, v0;
	[tilespmem:$0x480] =	vst v2;
	v2 =	vmin.u32 v5, $0xC350  }
0x82: {  	v5 =	vsub.s32 v7, v0;
	v6 =	vmin.u32 v6, $0xC350;
	[tilespmem:$0x5F0] =	vst v2  }
0x83: {  	v2 =	vmin.u32 v5, $0xC350;
	[tilespmem:$0x460] =	vst v6;
	v5 =	vsub.s32 v10, v0  }
0x84: {  	[tilespmem:$0x410] =	vst v2;
	v2 =	vmin.u32 v5, $0xC350;
	v5 =	vsub.s32 v9, v0  }
0x85: {  	[tilespmem:$0x450] =	vst v8;
	v5 =	vmin.u32 v5, $0xC350;
	v3 =	vsub.s32 v3, v0  }
0x86: {  	[tilespmem:$0x490] =	vst v5;
	v3 =	vmin.u32 v3, $0xC350  }
0x87: {  	[tilespmem:$0x4A0] =	vst v3  }
0x88: {  	[tilespmem:$0x470] =	vst v2  }
0x89: {  	[tilespmem:$0x5A0] =	vst v4  }
0x8a: {  	[tilespmem:s19], [sflag:$0x1] =	stream.indirect.gather [hbm4b:s2+s22], $0x20, s21, s22, $0xb8;
	[tilespmem:$0x1CE00] =	vst v63  }
0x8b: {  	_ =	swait.ge [sflag:s20], $0x1000  }
0x8c: {  	[sflag:s20] =	ssyncset.done $0x0  }
0x8d: {  	[sflag:s20] =	ssyncadd.s32 $0xFFFFF000  }
0x8e: {  	[spmem:s3] =	stream.indirect.scatter.add.f32 [tilespmem:s19], [sflag:$0x1], $0x20, s23, s22, $0xb8;
	[tilespmem:$0x1CE00] =	vst v63  }
0x8f: {  	_ =	swait.ge [sflag:s20], $0x1000  }
0x90: {  	[sflag:s20] =	ssyncset.done $0x0  }
0x91: {  	[sflag:s20] =	ssyncadd.s32 $0xFFFFF000  }
0x92: {  	[tilespmem:s25], [sflag:$0x1] =	stream.indirect.gather [hbm4b:s2+s22], $0x20, s24, s22, $0xb8;
	[tilespmem:$0x1CE00] =	vst v63  }
0x93: {  	_ =	swait.ge [sflag:s20], $0x1000  }
0x94: {  	[sflag:s20] =	ssyncset.done $0x0  }
0x95: {  	[sflag:s20] =	ssyncadd.s32 $0xFFFFF000  }
0x96: {  	[spmem:s3] =	stream.indirect.scatter.add.f32 [tilespmem:s25], [sflag:$0x1], $0x20, s26, s22, $0xb8;
	[tilespmem:$0x1CE00] =	vst v63  }
0x97: {  	_ =	swait.ge [sflag:s20], $0x1000  }
0x98: {  	[sflag:s20] =	ssyncset.done $0x0  }
0x99: {  	[sflag:s20] =	ssyncadd.s32 $0xFFFFF000  }
0x9a: {  	[tilespmem:s29], [sflag:$0x1] =	stream.indirect.gather [hbm4b:s2+s22], $0x20, s28, s22, $0xb8;
	[tilespmem:$0x1CE00] =	vst v63  }
0x9b: {  	_ =	swait.ge [sflag:s20], $0x1000  }
0x9c: {  	[sflag:s20] =	ssyncset.done $0x0  }
0x9d: {  	[sflag:s20] =	ssyncadd.s32 $0xFFFFF000  }
0x9e: {  	[spmem:s3] =	stream.indirect.scatter.add.f32 [tilespmem:s29], [sflag:$0x1], $0x20, s30, s22, $0xb8;
	[tilespmem:$0x1CE00] =	vst v63  }
0x9f: {  	_ =	swait.ge [sflag:s20], $0x1000  }
0xa0: {  	[sflag:s20] =	ssyncset.done $0x0  }
0xa1: {  	[sflag:s20] =	ssyncadd.s32 $0xFFFFF000  }
0xa2: {  	[tilespmem:s0], [sflag:$0x1] =	stream.indirect.gather [hbm4b:s2+s22], $0x20, s31, s22, $0xb8;
	[tilespmem:$0x1CE00] =	vst v63  }
0xa3: {  	_ =	swait.ge [sflag:s20], $0x1000  }
0xa4: {  	[sflag:s20] =	ssyncset.done $0x0  }
0xa5: {  	[sflag:s20] =	ssyncadd.s32 $0xFFFFF000  }
0xa6: {  	[spmem:s3] =	stream.indirect.scatter.add.f32 [tilespmem:s0], [sflag:$0x1], $0x20, s8, s22, $0xb8;
	[tilespmem:$0x1CE00] =	vst v63  }
0xa7: {  	_ =	swait.ge [sflag:s20], $0x1000  }
0xa8: {  	[sflag:s20] =	ssyncset.done $0x0  }
.Ltmp3:
0xa9: {  	s15 =	sadd.s32 s14, s18;
	[sflag:s20] =	ssyncadd.s32 $0xFFFFF000;
	(pc) =	sbr.rel @p1 .LBB2_4-.Ltmp3, $4  }
0xaa: {  	[tilespmem:s12], [sflag:$0x1] =	stream.linear.gather [hbm4b:s15+s12], $0x200, $0x38;
	[tilespmem:$0x1CE00] =	vst v63  }
0xab: {  	_ =	swait.ge [sflag:s20], $0x200  }
0xac: {  	[sflag:s20] =	ssyncset.done $0x0  }
0xad: {  	s14 =	sadd.s32 s14, s17;
	[sflag:s20] =	ssyncadd.s32 $0xFFFFFE00  }
0xae: {  	[tilespmem:s21], [sflag:$0x1] =	stream.linear.gather [hbm4b:s14+s12], $0x200, $0x38;
	[tilespmem:$0x1CE00] =	vst v63  }
0xaf: {  	_ =	swait.ge [sflag:s20], $0x200  }
0xb0: {  	[sflag:s20] =	ssyncset.done $0x0  }
0xb1: {  	[sflag:s20] =	ssyncadd.s32 $0xFFFFFE00  }
0xb2: {  	v2 =	vld [tilespmem:$0x0]  }
0xb3: {  	v3 =	vld [tilespmem:$0xB0]  }
0xb4: {  	v9 =	vld [tilespmem:$0x100]  }
0xb5: {  	v37 =	vld [tilespmem:$0x160]  }
0xb6: {  	v44 =	vld [tilespmem:$0x120]  }
0xb7: {  	v4 =	vld [tilespmem:$0x30]  }
0xb8: {  	v5 =	vld [tilespmem:$0xD0]  }
0xb9: {  	v6 =	vld [tilespmem:$0xC0];
	v2 =	vsub.s32 v2, v0  }
0xba: {  	v7 =	vld [tilespmem:$0xF0];
	v36 =	vsub.s32 v9, v0;
	v9 =	vsub.s32 v37, v0;
	v2 =	vmin.u32 v2, $0xC350  }
0xbb: {  	v8 =	vld [tilespmem:$0x110];
	v50 =	vsub.s32 v44, v0;
	v42 =	vmin.u32 v9, $0xC350;
	[tilespmem:$0x400] =	vst v2  }
0xbc: {  	v48 =	vld [tilespmem:$0x80];
	v3 =	vsub.s32 v3, v0;
	v52 =	vmin.u32 v50, $0xC350;
	[tilespmem:$0x560] =	vst v42  }
0xbd: {  	v4 =	vsub.s32 v4, v0;
	v2 =	vmin.u32 v3, $0xC350;
	[tilespmem:$0x520] =	vst v52  }
0xbe: {  	v60 =	vld [tilespmem:$0x70];
	v3 =	vmin.u32 v4, $0xC350;
	[tilespmem:$0x4B0] =	vst v2;
	v2 =	vsub.s32 v5, v0  }
0xbf: {  	v33 =	vld [tilespmem:$0xE0];
	v6 =	vsub.s32 v6, v0;
	[tilespmem:$0x430] =	vst v3;
	v2 =	vmin.u32 v2, $0xC350  }
0xc0: {  	v34 =	vld [tilespmem:$0x150];
	v3 =	vmin.u32 v6, $0xC350;
	[tilespmem:$0x4D0] =	vst v2;
	v2 =	vsub.s32 v7, v0  }
0xc1: {  	v51 =	vld [tilespmem:$0x60];
	v56 =	vsub.s32 v48, v0;
	[tilespmem:$0x4C0] =	vst v3;
	v3 =	vsub.s32 v8, v0;
	v2 =	vmin.u32 v2, $0xC350  }
0xc2: {  	v58 =	vmin.u32 v56, $0xC350;
	[tilespmem:$0x4F0] =	vst v2;
	v2 =	vmin.u32 v3, $0xC350;
	v3 =	vld [tilespmem:$0x130]  }
0xc3: {  	v32 =	vld [tilespmem:$0x20];
	v62 =	vsub.s32 v60, v0;
	[tilespmem:$0x480] =	vst v58  }
0xc4: {  	v38 =	vld [tilespmem:$0x180];
	v63 =	vmin.u32 v62, $0xC350;
	[tilespmem:$0x510] =	vst v2;
	v2 =	vsub.s32 v33, v0  }
0xc5: {  	v45 =	vld [tilespmem:$0x1D0];
	[tilespmem:$0x470] =	vst v63;
	v6 =	vsub.s32 v34, v0;
	v2 =	vmin.u32 v2, $0xC350  }
0xc6: {  	v40 =	vld [tilespmem:$0x190];
	v9 =	vsub.s32 v51, v0;
	[tilespmem:$0x4E0] =	vst v2;
	v2 =	vmin.u32 v6, $0xC350  }
0xc7: {  	v9 =	vmin.u32 v9, $0xC350;
	[tilespmem:$0x550] =	vst v2;
	v2 =	vld [tilespmem:$0x1C0];
	v3 =	vsub.s32 v3, v0  }
0xc8: {  	v41 =	vld [tilespmem:$0x170];
	v4 =	vsub.s32 v32, v0;
	[tilespmem:$0x460] =	vst v9;
	v3 =	vmin.u32 v3, $0xC350  }
0xc9: {  	v43 =	vld [tilespmem:$0x1B0];
	v4 =	vmin.u32 v4, $0xC350;
	[tilespmem:$0x530] =	vst v3;
	v3 =	vsub.s32 v38, v0  }
0xca: {  	v53 =	vsub.s32 v45, v0;
	[tilespmem:$0x420] =	vst v4;
	v3 =	vmin.u32 v3, $0xC350  }
0xcb: {  	v39 =	vld [tilespmem:$0x140];
	v5 =	vmin.u32 v53, $0xC350;
	[tilespmem:$0x580] =	vst v3;
	v3 =	vsub.s32 v40, v0  }
0xcc: {  	v35 =	vld [tilespmem:$0x1E0];
	[tilespmem:$0x5D0] =	vst v5;
	v2 =	vsub.s32 v2, v0;
	v3 =	vmin.u32 v3, $0xC350  }
0xcd: {  	v46 =	vld [tilespmem:$0x40];
	v47 =	vsub.s32 v41, v0;
	v2 =	vmin.u32 v2, $0xC350;
	[tilespmem:$0x590] =	vst v3  }
0xce: {  	v49 =	vsub.s32 v43, v0;
	v3 =	vmin.u32 v47, $0xC350;
	[tilespmem:$0x5C0] =	vst v2;
	v2 =	vld [tilespmem:$0x1F0]  }
0xcf: {  	v54 =	vld [tilespmem:$0x10];
	[tilespmem:$0x570] =	vst v3;
	v3 =	vmin.u32 v49, $0xC350  }
0xd0: {  	v8 =	vmin.u32 v36, $0xC350;
	v4 =	vsub.s32 v39, v0;
	[tilespmem:$0x5B0] =	vst v3;
	v3 =	vld [tilespmem:$0x50]  }
0xd1: {  	v57 =	vld [tilespmem:$0x90];
	[tilespmem:$0x500] =	vst v8;
	v7 =	vsub.s32 v35, v0;
	v4 =	vmin.u32 v4, $0xC350  }
0xd2: {  	v59 =	vld [tilespmem:$0xA0];
	v7 =	vmin.u32 v7, $0xC350;
	[tilespmem:$0x540] =	vst v4;
	v6 =	vsub.s32 v46, v0  }
0xd3: {  	v61 =	vld [tilespmem:$0x1A0];
	[tilespmem:$0x5E0] =	vst v7;
	v55 =	vmin.u32 v6, $0xC350;
	v2 =	vsub.s32 v2, v0  }
0xd4: {  	v7 =	vsub.s32 v54, v0;
	[tilespmem:$0x440] =	vst v55;
	v2 =	vmin.u32 v2, $0xC350  }
0xd5: {  	[tilespmem:$0x5F0] =	vst v2;
	v2 =	vsub.s32 v3, v0;
	v3 =	vmin.u32 v7, $0xC350  }
0xd6: {  	v2 =	vmin.u32 v2, $0xC350;
	[tilespmem:$0x410] =	vst v3;
	v3 =	vsub.s32 v57, v0  }
0xd7: {  	[tilespmem:$0x450] =	vst v2;
	v2 =	vmin.u32 v3, $0xC350;
	v3 =	vsub.s32 v59, v0  }
0xd8: {  	[tilespmem:$0x490] =	vst v2;
	v2 =	vmin.u32 v3, $0xC350;
	v3 =	vsub.s32 v61, v0  }
0xd9: {  	[tilespmem:$0x4A0] =	vst v2;
	v2 =	vmin.u32 v3, $0xC350  }
0xda: {  	[tilespmem:$0x5A0] =	vst v2  }
0xdb: {  	[tilespmem:s19], [sflag:$0x1] =	stream.indirect.gather [hbm4b:s2+s22], $0x20, s21, s22, $0xb8;
	[tilespmem:$0x1CE00] =	vst v63  }
0xdc: {  	_ =	swait.ge [sflag:s20], $0x1000  }
0xdd: {  	[sflag:s20] =	ssyncset.done $0x0  }
0xde: {  	[sflag:s20] =	ssyncadd.s32 $0xFFFFF000  }
0xdf: {  	[spmem:s3] =	stream.indirect.scatter.add.f32 [tilespmem:s19], [sflag:$0x1], $0x20, s23, s22, $0xb8;
	[tilespmem:$0x1CE00] =	vst v63  }
0xe0: {  	_ =	swait.ge [sflag:s20], $0x1000  }
0xe1: {  	[sflag:s20] =	ssyncset.done $0x0  }
0xe2: {  	[sflag:s20] =	ssyncadd.s32 $0xFFFFF000  }
0xe3: {  	[tilespmem:s25], [sflag:$0x1] =	stream.indirect.gather [hbm4b:s2+s22], $0x20, s24, s22, $0xb8;
	[tilespmem:$0x1CE00] =	vst v63  }
0xe4: {  	_ =	swait.ge [sflag:s20], $0x1000  }
0xe5: {  	[sflag:s20] =	ssyncset.done $0x0  }
0xe6: {  	[sflag:s20] =	ssyncadd.s32 $0xFFFFF000  }
0xe7: {  	[spmem:s3] =	stream.indirect.scatter.add.f32 [tilespmem:s25], [sflag:$0x1], $0x20, s26, s22, $0xb8;
	[tilespmem:$0x1CE00] =	vst v63  }
0xe8: {  	_ =	swait.ge [sflag:s20], $0x1000  }
0xe9: {  	[sflag:s20] =	ssyncset.done $0x0  }
0xea: {  	[sflag:s20] =	ssyncadd.s32 $0xFFFFF000  }
0xeb: {  	[tilespmem:s29], [sflag:$0x1] =	stream.indirect.gather [hbm4b:s2+s22], $0x20, s28, s22, $0xb8;
	[tilespmem:$0x1CE00] =	vst v63  }
0xec: {  	_ =	swait.ge [sflag:s20], $0x1000  }
0xed: {  	[sflag:s20] =	ssyncset.done $0x0  }
0xee: {  	[sflag:s20] =	ssyncadd.s32 $0xFFFFF000  }
0xef: {  	[spmem:s3] =	stream.indirect.scatter.add.f32 [tilespmem:s29], [sflag:$0x1], $0x20, s30, s22, $0xb8;
	[tilespmem:$0x1CE00] =	vst v63  }
0xf0: {  	_ =	swait.ge [sflag:s20], $0x1000  }
0xf1: {  	[sflag:s20] =	ssyncset.done $0x0  }
0xf2: {  	[sflag:s20] =	ssyncadd.s32 $0xFFFFF000  }
0xf3: {  	[tilespmem:s0], [sflag:$0x1] =	stream.indirect.gather [hbm4b:s2+s22], $0x20, s31, s22, $0xb8;
	[tilespmem:$0x1CE00] =	vst v63  }
0xf4: {  	_ =	swait.ge [sflag:s20], $0x1000  }
0xf5: {  	[sflag:s20] =	ssyncset.done $0x0  }
0xf6: {  	[sflag:s20] =	ssyncadd.s32 $0xFFFFF000  }
0xf7: {  	[spmem:s3] =	stream.indirect.scatter.add.f32 [tilespmem:s0], [sflag:$0x1], $0x20, s8, s22, $0xb8;
	[tilespmem:$0x1CE00] =	vst v63  }
0xf8: {  	_ =	swait.ge [sflag:s20], $0x1000  }
0xf9: {  	[sflag:s20] =	ssyncset.done $0x0  }
0xfa: {  	s15 =	sadd.s32 $0x0, s17;
	[sflag:s20] =	ssyncadd.s32 $0xFFFFF000  }
0xfb: {  	[tilespmem:s4], [sflag:$0x1] =	stream.linear.gather [hbm4b:s15+s4], $0x200, $0x38;
	[tilespmem:$0x1CE00] =	vst v63  }
0xfc: {  	_ =	swait.ge [sflag:s20], $0x200  }
0xfd: {  	[sflag:s20] =	ssyncset.done $0x0  }
0xfe: {  	s12 =	simm.s32 $0x40;
	[sflag:s20] =	ssyncadd.s32 $0xFFFFFE00  }
.LBB2_6:
0xff: {  	[tilespmem:s21], [sflag:$0x1] =	stream.linear.gather [hbm4b:s11+s4], $0x200, $0x38;
	[tilespmem:$0x1CE00] =	vst v63  }
0x100: {  	s11 =	smov.u32 s12  }
0x101: {  	p1 =	sne.s32 s12, $0x31C0;
	s12 =	sadd.s32 $0x40, s12;
	_ =	swait.ge [sflag:s20], $0x200  }
0x102: {  	[sflag:s20] =	ssyncset.done $0x0  }
0x103: {  	[sflag:s20] =	ssyncadd.s32 $0xFFFFFE00  }
0x104: {  	v2 =	vld [tilespmem:$0xB0]  }
0x105: {  	v3 =	vld [tilespmem:$0x0]  }
0x106: {  	v4 =	vld [tilespmem:$0x30]  }
0x107: {  	v5 =	vld [tilespmem:$0xC0]  }
0x108: {  	v6 =	vld [tilespmem:$0xD0]  }
0x109: {  	v7 =	vld [tilespmem:$0xE0]  }
0x10a: {  	v3 =	vsub.s32 v3, v0;
	v8 =	vld [tilespmem:$0xF0]  }
0x10b: {  	v2 =	vsub.s32 v2, v0;
	v3 =	vmin.u32 v3, $0xC350;
	v4 =	vsub.s32 v4, v0;
	v9 =	vld [tilespmem:$0x100]  }
0x10c: {  	v2 =	vmin.u32 v2, $0xC350;
	[tilespmem:$0x400] =	vst v3;
	v3 =	vmin.u32 v4, $0xC350;
	v4 =	vsub.s32 v5, v0;
	v5 =	vld [tilespmem:$0x110]  }
0x10d: {  	[tilespmem:$0x4B0] =	vst v2;
	v2 =	vmin.u32 v4, $0xC350;
	v4 =	vsub.s32 v6, v0;
	v6 =	vld [tilespmem:$0x1E0]  }
0x10e: {  	v10 =	vld [tilespmem:$0x20];
	[tilespmem:$0x430] =	vst v3;
	v3 =	vmin.u32 v4, $0xC350;
	v4 =	vsub.s32 v7, v0  }
0x10f: {  	[tilespmem:$0x4D0] =	vst v3;
	v3 =	vmin.u32 v4, $0xC350;
	v4 =	vsub.s32 v8, v0;
	v7 =	vld [tilespmem:$0x120]  }
0x110: {  	[tilespmem:$0x4C0] =	vst v2;
	v2 =	vmin.u32 v4, $0xC350;
	v4 =	vsub.s32 v9, v0;
	v8 =	vld [tilespmem:$0x150]  }
0x111: {  	[tilespmem:$0x4F0] =	vst v2;
	v2 =	vmin.u32 v4, $0xC350;
	v4 =	vsub.s32 v5, v0;
	v5 =	vld [tilespmem:$0x160]  }
0x112: {  	v4 =	vmin.u32 v4, $0xC350;
	v9 =	vld [tilespmem:$0x130];
	v6 =	vsub.s32 v6, v0  }
0x113: {  	v10 =	vsub.s32 v10, v0;
	[tilespmem:$0x510] =	vst v4;
	v4 =	vld [tilespmem:$0x170];
	v6 =	vmin.u32 v6, $0xC350  }
0x114: {  	v10 =	vmin.u32 v10, $0xC350;
	[tilespmem:$0x500] =	vst v2;
	v2 =	vsub.s32 v7, v0;
	v7 =	vld [tilespmem:$0x180]  }
0x115: {  	[tilespmem:$0x420] =	vst v10;
	v2 =	vmin.u32 v2, $0xC350;
	v10 =	vld [tilespmem:$0x140];
	v8 =	vsub.s32 v8, v0  }
0x116: {  	[tilespmem:$0x4E0] =	vst v3;
	v3 =	vmin.u32 v8, $0xC350;
	v5 =	vsub.s32 v5, v0;
	v8 =	vld [tilespmem:$0x190]  }
0x117: {  	v9 =	vsub.s32 v9, v0;
	[tilespmem:$0x550] =	vst v3;
	v3 =	vmin.u32 v5, $0xC350;
	v5 =	vld [tilespmem:$0x1C0]  }
0x118: {  	v9 =	vmin.u32 v9, $0xC350;
	v4 =	vsub.s32 v4, v0;
	v11 =	vld [tilespmem:$0x1D0];
	[tilespmem:$0x5E0] =	vst v6  }
0x119: {  	[tilespmem:$0x530] =	vst v9;
	v4 =	vmin.u32 v4, $0xC350;
	v6 =	vsub.s32 v7, v0;
	v7 =	vld [tilespmem:$0x1B0]  }
0x11a: {  	v9 =	vsub.s32 v10, v0;
	[tilespmem:$0x560] =	vst v3;
	v3 =	vmin.u32 v6, $0xC350;
	v6 =	vld [tilespmem:$0x1A0]  }
0x11b: {  	v10 =	vld [tilespmem:$0x50];
	v9 =	vmin.u32 v9, $0xC350;
	[tilespmem:$0x580] =	vst v3;
	v3 =	vsub.s32 v8, v0  }
0x11c: {  	v8 =	vld [tilespmem:$0x40];
	[tilespmem:$0x540] =	vst v9;
	v3 =	vmin.u32 v3, $0xC350;
	v5 =	vsub.s32 v5, v0  }
0x11d: {  	v9 =	vld [tilespmem:$0x80];
	[tilespmem:$0x590] =	vst v3;
	v3 =	vmin.u32 v5, $0xC350;
	v5 =	vsub.s32 v11, v0  }
0x11e: {  	v7 =	vsub.s32 v7, v0;
	[tilespmem:$0x5C0] =	vst v3;
	v3 =	vmin.u32 v5, $0xC350;
	v5 =	vld [tilespmem:$0x1F0]  }
0x11f: {  	v11 =	vld [tilespmem:$0x60];
	[tilespmem:$0x570] =	vst v4;
	v4 =	vsub.s32 v6, v0;
	v6 =	vmin.u32 v7, $0xC350  }
0x120: {  	v7 =	vld [tilespmem:$0x10];
	v10 =	vsub.s32 v10, v0;
	v4 =	vmin.u32 v4, $0xC350;
	[tilespmem:$0x5B0] =	vst v6  }
0x121: {  	v6 =	vsub.s32 v8, v0;
	v8 =	vmin.u32 v10, $0xC350;
	v10 =	vld [tilespmem:$0x70];
	[tilespmem:$0x520] =	vst v2  }
0x122: {  	v2 =	vmin.u32 v6, $0xC350;
	v6 =	vsub.s32 v9, v0;
	v9 =	vld [tilespmem:$0x90];
	[tilespmem:$0x5D0] =	vst v3  }
0x123: {  	[tilespmem:$0x440] =	vst v2;
	v2 =	vmin.u32 v6, $0xC350;
	v3 =	vld [tilespmem:$0xA0];
	v5 =	vsub.s32 v5, v0  }
0x124: {  	v6 =	vsub.s32 v11, v0;
	[tilespmem:$0x480] =	vst v2;
	v2 =	vmin.u32 v5, $0xC350  }
0x125: {  	v5 =	vsub.s32 v7, v0;
	v6 =	vmin.u32 v6, $0xC350;
	[tilespmem:$0x5F0] =	vst v2  }
0x126: {  	v2 =	vmin.u32 v5, $0xC350;
	[tilespmem:$0x460] =	vst v6;
	v5 =	vsub.s32 v10, v0  }
0x127: {  	[tilespmem:$0x410] =	vst v2;
	v2 =	vmin.u32 v5, $0xC350;
	v5 =	vsub.s32 v9, v0  }
0x128: {  	[tilespmem:$0x450] =	vst v8;
	v5 =	vmin.u32 v5, $0xC350;
	v3 =	vsub.s32 v3, v0  }
0x129: {  	[tilespmem:$0x490] =	vst v5;
	v3 =	vmin.u32 v3, $0xC350  }
0x12a: {  	[tilespmem:$0x4A0] =	vst v3  }
0x12b: {  	[tilespmem:$0x470] =	vst v2  }
0x12c: {  	[tilespmem:$0x5A0] =	vst v4  }
0x12d: {  	[tilespmem:s19], [sflag:$0x1] =	stream.indirect.gather [hbm4b:s2+s22], $0x20, s21, s22, $0xb8;
	[tilespmem:$0x1CE00] =	vst v63  }
0x12e: {  	_ =	swait.ge [sflag:s20], $0x1000  }
0x12f: {  	[sflag:s20] =	ssyncset.done $0x0  }
0x130: {  	[sflag:s20] =	ssyncadd.s32 $0xFFFFF000  }
0x131: {  	[spmem:s3] =	stream.indirect.scatter.add.f32 [tilespmem:s19], [sflag:$0x1], $0x20, s23, s22, $0xb8;
	[tilespmem:$0x1CE00] =	vst v63  }
0x132: {  	_ =	swait.ge [sflag:s20], $0x1000  }
0x133: {  	[sflag:s20] =	ssyncset.done $0x0  }
0x134: {  	[sflag:s20] =	ssyncadd.s32 $0xFFFFF000  }
0x135: {  	[tilespmem:s25], [sflag:$0x1] =	stream.indirect.gather [hbm4b:s2+s22], $0x20, s24, s22, $0xb8;
	[tilespmem:$0x1CE00] =	vst v63  }
0x136: {  	_ =	swait.ge [sflag:s20], $0x1000  }
0x137: {  	[sflag:s20] =	ssyncset.done $0x0  }
0x138: {  	[sflag:s20] =	ssyncadd.s32 $0xFFFFF000  }
0x139: {  	[spmem:s3] =	stream.indirect.scatter.add.f32 [tilespmem:s25], [sflag:$0x1], $0x20, s26, s22, $0xb8;
	[tilespmem:$0x1CE00] =	vst v63  }
0x13a: {  	_ =	swait.ge [sflag:s20], $0x1000  }
0x13b: {  	[sflag:s20] =	ssyncset.done $0x0  }
0x13c: {  	[sflag:s20] =	ssyncadd.s32 $0xFFFFF000  }
0x13d: {  	[tilespmem:s29], [sflag:$0x1] =	stream.indirect.gather [hbm4b:s2+s22], $0x20, s28, s22, $0xb8;
	[tilespmem:$0x1CE00] =	vst v63  }
0x13e: {  	_ =	swait.ge [sflag:s20], $0x1000  }
0x13f: {  	[sflag:s20] =	ssyncset.done $0x0  }
0x140: {  	[sflag:s20] =	ssyncadd.s32 $0xFFFFF000  }
0x141: {  	[spmem:s3] =	stream.indirect.scatter.add.f32 [tilespmem:s29], [sflag:$0x1], $0x20, s30, s22, $0xb8;
	[tilespmem:$0x1CE00] =	vst v63  }
0x142: {  	_ =	swait.ge [sflag:s20], $0x1000  }
0x143: {  	[sflag:s20] =	ssyncset.done $0x0  }
0x144: {  	[sflag:s20] =	ssyncadd.s32 $0xFFFFF000  }
0x145: {  	[tilespmem:s0], [sflag:$0x1] =	stream.indirect.gather [hbm4b:s2+s22], $0x20, s31, s22, $0xb8;
	[tilespmem:$0x1CE00] =	vst v63  }
0x146: {  	_ =	swait.ge [sflag:s20], $0x1000  }
0x147: {  	[sflag:s20] =	ssyncset.done $0x0  }
0x148: {  	[sflag:s20] =	ssyncadd.s32 $0xFFFFF000  }
0x149: {  	[spmem:s3] =	stream.indirect.scatter.add.f32 [tilespmem:s0], [sflag:$0x1], $0x20, s8, s22, $0xb8;
	[tilespmem:$0x1CE00] =	vst v63  }
0x14a: {  	_ =	swait.ge [sflag:s20], $0x1000  }
0x14b: {  	[sflag:s20] =	ssyncset.done $0x0  }
.Ltmp4:
0x14c: {  	s13 =	sadd.s32 s11, s17;
	[sflag:s20] =	ssyncadd.s32 $0xFFFFF000;
	(pc) =	sbr.rel @p1 .LBB2_6-.Ltmp4, $4  }
0x14d: {  	[tilespmem:s4], [sflag:$0x1] =	stream.linear.gather [hbm4b:s13+s4], $0x200, $0x38;
	[tilespmem:$0x1CE00] =	vst v63  }
0x14e: {  	_ =	swait.ge [sflag:s20], $0x200  }
0x14f: {  	[sflag:s20] =	ssyncset.done $0x0  }
0x150: {  	s11 =	sadd.s32 s11, s18;
	[sflag:s20] =	ssyncadd.s32 $0xFFFFFE00  }
0x151: {  	[tilespmem:s21], [sflag:$0x1] =	stream.linear.gather [hbm4b:s11+s4], $0x200, $0x38;
	[tilespmem:$0x1CE00] =	vst v63  }
0x152: {  	_ =	swait.ge [sflag:s20], $0x200  }
0x153: {  	[sflag:s20] =	ssyncset.done $0x0  }
0x154: {  	[sflag:s20] =	ssyncadd.s32 $0xFFFFFE00  }
0x155: {  	v2 =	vld [tilespmem:$0x0]  }
0x156: {  	v3 =	vld [tilespmem:$0xB0]  }
0x157: {  	v9 =	vld [tilespmem:$0x100]  }
0x158: {  	v37 =	vld [tilespmem:$0x160]  }
0x159: {  	v44 =	vld [tilespmem:$0x120]  }
0x15a: {  	v4 =	vld [tilespmem:$0x30]  }
0x15b: {  	v5 =	vld [tilespmem:$0xD0]  }
0x15c: {  	v6 =	vld [tilespmem:$0xC0];
	v2 =	vsub.s32 v2, v0  }
0x15d: {  	v7 =	vld [tilespmem:$0xF0];
	v36 =	vsub.s32 v9, v0;
	v9 =	vsub.s32 v37, v0;
	v2 =	vmin.u32 v2, $0xC350  }
0x15e: {  	v8 =	vld [tilespmem:$0x110];
	v50 =	vsub.s32 v44, v0;
	v42 =	vmin.u32 v9, $0xC350;
	[tilespmem:$0x400] =	vst v2  }
0x15f: {  	v48 =	vld [tilespmem:$0x80];
	v3 =	vsub.s32 v3, v0;
	v52 =	vmin.u32 v50, $0xC350;
	[tilespmem:$0x560] =	vst v42  }
0x160: {  	v4 =	vsub.s32 v4, v0;
	v2 =	vmin.u32 v3, $0xC350;
	[tilespmem:$0x520] =	vst v52  }
0x161: {  	v60 =	vld [tilespmem:$0x70];
	v3 =	vmin.u32 v4, $0xC350;
	[tilespmem:$0x4B0] =	vst v2;
	v2 =	vsub.s32 v5, v0  }
0x162: {  	v33 =	vld [tilespmem:$0xE0];
	v6 =	vsub.s32 v6, v0;
	[tilespmem:$0x430] =	vst v3;
	v2 =	vmin.u32 v2, $0xC350  }
0x163: {  	v34 =	vld [tilespmem:$0x150];
	v3 =	vmin.u32 v6, $0xC350;
	[tilespmem:$0x4D0] =	vst v2;
	v2 =	vsub.s32 v7, v0  }
0x164: {  	v51 =	vld [tilespmem:$0x60];
	v56 =	vsub.s32 v48, v0;
	[tilespmem:$0x4C0] =	vst v3;
	v3 =	vsub.s32 v8, v0;
	v2 =	vmin.u32 v2, $0xC350  }
0x165: {  	v58 =	vmin.u32 v56, $0xC350;
	[tilespmem:$0x4F0] =	vst v2;
	v2 =	vmin.u32 v3, $0xC350;
	v3 =	vld [tilespmem:$0x130]  }
0x166: {  	v32 =	vld [tilespmem:$0x20];
	v62 =	vsub.s32 v60, v0;
	[tilespmem:$0x480] =	vst v58  }
0x167: {  	v38 =	vld [tilespmem:$0x180];
	v63 =	vmin.u32 v62, $0xC350;
	[tilespmem:$0x510] =	vst v2;
	v2 =	vsub.s32 v33, v0  }
0x168: {  	v45 =	vld [tilespmem:$0x1D0];
	[tilespmem:$0x470] =	vst v63;
	v6 =	vsub.s32 v34, v0;
	v2 =	vmin.u32 v2, $0xC350  }
0x169: {  	v40 =	vld [tilespmem:$0x190];
	v9 =	vsub.s32 v51, v0;
	[tilespmem:$0x4E0] =	vst v2;
	v2 =	vmin.u32 v6, $0xC350  }
0x16a: {  	v9 =	vmin.u32 v9, $0xC350;
	[tilespmem:$0x550] =	vst v2;
	v2 =	vld [tilespmem:$0x1C0];
	v3 =	vsub.s32 v3, v0  }
0x16b: {  	v41 =	vld [tilespmem:$0x170];
	v4 =	vsub.s32 v32, v0;
	[tilespmem:$0x460] =	vst v9;
	v3 =	vmin.u32 v3, $0xC350  }
0x16c: {  	v43 =	vld [tilespmem:$0x1B0];
	v4 =	vmin.u32 v4, $0xC350;
	[tilespmem:$0x530] =	vst v3;
	v3 =	vsub.s32 v38, v0  }
0x16d: {  	v53 =	vsub.s32 v45, v0;
	[tilespmem:$0x420] =	vst v4;
	v3 =	vmin.u32 v3, $0xC350  }
0x16e: {  	v39 =	vld [tilespmem:$0x140];
	v5 =	vmin.u32 v53, $0xC350;
	[tilespmem:$0x580] =	vst v3;
	v3 =	vsub.s32 v40, v0  }
0x16f: {  	v35 =	vld [tilespmem:$0x1E0];
	[tilespmem:$0x5D0] =	vst v5;
	v2 =	vsub.s32 v2, v0;
	v3 =	vmin.u32 v3, $0xC350  }
0x170: {  	v46 =	vld [tilespmem:$0x40];
	v47 =	vsub.s32 v41, v0;
	v2 =	vmin.u32 v2, $0xC350;
	[tilespmem:$0x590] =	vst v3  }
0x171: {  	v49 =	vsub.s32 v43, v0;
	v3 =	vmin.u32 v47, $0xC350;
	[tilespmem:$0x5C0] =	vst v2;
	v2 =	vld [tilespmem:$0x1F0]  }
0x172: {  	v54 =	vld [tilespmem:$0x10];
	[tilespmem:$0x570] =	vst v3;
	v3 =	vmin.u32 v49, $0xC350  }
0x173: {  	v8 =	vmin.u32 v36, $0xC350;
	v4 =	vsub.s32 v39, v0;
	[tilespmem:$0x5B0] =	vst v3;
	v3 =	vld [tilespmem:$0x50]  }
0x174: {  	v57 =	vld [tilespmem:$0x90];
	[tilespmem:$0x500] =	vst v8;
	v7 =	vsub.s32 v35, v0;
	v4 =	vmin.u32 v4, $0xC350  }
0x175: {  	v59 =	vld [tilespmem:$0xA0];
	v7 =	vmin.u32 v7, $0xC350;
	[tilespmem:$0x540] =	vst v4;
	v6 =	vsub.s32 v46, v0  }
0x176: {  	v61 =	vld [tilespmem:$0x1A0];
	[tilespmem:$0x5E0] =	vst v7;
	v55 =	vmin.u32 v6, $0xC350;
	v2 =	vsub.s32 v2, v0  }
0x177: {  	v7 =	vsub.s32 v54, v0;
	[tilespmem:$0x440] =	vst v55;
	v2 =	vmin.u32 v2, $0xC350  }
0x178: {  	[tilespmem:$0x5F0] =	vst v2;
	v2 =	vsub.s32 v3, v0;
	v3 =	vmin.u32 v7, $0xC350  }
0x179: {  	v2 =	vmin.u32 v2, $0xC350;
	[tilespmem:$0x410] =	vst v3;
	v3 =	vsub.s32 v57, v0  }
0x17a: {  	[tilespmem:$0x450] =	vst v2;
	v2 =	vmin.u32 v3, $0xC350;
	v3 =	vsub.s32 v59, v0  }
0x17b: {  	[tilespmem:$0x490] =	vst v2;
	v2 =	vmin.u32 v3, $0xC350;
	v3 =	vsub.s32 v61, v0  }
0x17c: {  	[tilespmem:$0x4A0] =	vst v2;
	v2 =	vmin.u32 v3, $0xC350  }
0x17d: {  	[tilespmem:$0x5A0] =	vst v2  }
0x17e: {  	[tilespmem:s19], [sflag:$0x1] =	stream.indirect.gather [hbm4b:s2+s22], $0x20, s21, s22, $0xb8;
	[tilespmem:$0x1CE00] =	vst v63  }
0x17f: {  	_ =	swait.ge [sflag:s20], $0x1000  }
0x180: {  	[sflag:s20] =	ssyncset.done $0x0  }
0x181: {  	[sflag:s20] =	ssyncadd.s32 $0xFFFFF000  }
0x182: {  	[spmem:s3] =	stream.indirect.scatter.add.f32 [tilespmem:s19], [sflag:$0x1], $0x20, s23, s22, $0xb8;
	[tilespmem:$0x1CE00] =	vst v63  }
0x183: {  	_ =	swait.ge [sflag:s20], $0x1000  }
0x184: {  	[sflag:s20] =	ssyncset.done $0x0  }
0x185: {  	[sflag:s20] =	ssyncadd.s32 $0xFFFFF000  }
0x186: {  	[tilespmem:s25], [sflag:$0x1] =	stream.indirect.gather [hbm4b:s2+s22], $0x20, s24, s22, $0xb8;
	[tilespmem:$0x1CE00] =	vst v63  }
0x187: {  	_ =	swait.ge [sflag:s20], $0x1000  }
0x188: {  	[sflag:s20] =	ssyncset.done $0x0  }
0x189: {  	[sflag:s20] =	ssyncadd.s32 $0xFFFFF000  }
0x18a: {  	[spmem:s3] =	stream.indirect.scatter.add.f32 [tilespmem:s25], [sflag:$0x1], $0x20, s26, s22, $0xb8;
	[tilespmem:$0x1CE00] =	vst v63  }
0x18b: {  	_ =	swait.ge [sflag:s20], $0x1000  }
0x18c: {  	[sflag:s20] =	ssyncset.done $0x0  }
0x18d: {  	[sflag:s20] =	ssyncadd.s32 $0xFFFFF000  }
0x18e: {  	[tilespmem:s29], [sflag:$0x1] =	stream.indirect.gather [hbm4b:s2+s22], $0x20, s28, s22, $0xb8;
	[tilespmem:$0x1CE00] =	vst v63  }
0x18f: {  	_ =	swait.ge [sflag:s20], $0x1000  }
0x190: {  	[sflag:s20] =	ssyncset.done $0x0  }
0x191: {  	[sflag:s20] =	ssyncadd.s32 $0xFFFFF000  }
0x192: {  	[spmem:s3] =	stream.indirect.scatter.add.f32 [tilespmem:s29], [sflag:$0x1], $0x20, s30, s22, $0xb8;
	[tilespmem:$0x1CE00] =	vst v63  }
0x193: {  	_ =	swait.ge [sflag:s20], $0x1000  }
0x194: {  	[sflag:s20] =	ssyncset.done $0x0  }
0x195: {  	[sflag:s20] =	ssyncadd.s32 $0xFFFFF000  }
0x196: {  	[tilespmem:s0], [sflag:$0x1] =	stream.indirect.gather [hbm4b:s2+s22], $0x20, s31, s22, $0xb8;
	[tilespmem:$0x1CE00] =	vst v63  }
0x197: {  	_ =	swait.ge [sflag:s20], $0x1000  }
0x198: {  	[sflag:s20] =	ssyncset.done $0x0  }
0x199: {  	[sflag:s20] =	ssyncadd.s32 $0xFFFFF000  }
0x19a: {  	[spmem:s3] =	stream.indirect.scatter.add.f32 [tilespmem:s0], [sflag:$0x1], $0x20, s8, s22, $0xb8;
	[tilespmem:$0x1CE00] =	vst v63  }
.Ltmp5:
0x19b: {  	_ =	swait.ge [sflag:s20], $0x1000;
	(pc) =	sbr.rel .LBB2_8-.Ltmp5, $4  }
0x19c: {  	[sflag:s20] =	ssyncset.done $0x0  }
0x19d: {  	[sflag:s20] =	ssyncadd.s32 $0xFFFFF000  }
0x19e: {  	[bflag:$0x0] =	sbarrier.arrive $0xFFFF  }
0x19f: {  	s11 =	simm.s32 $0x0  }
.LBB2_12:
0x1a0: {  	s11 =	sadd.s32 $0x1, s11  }
0x1a1: {  	p1 =	sne.s32 s11, $0x8  }
.Ltmp6:
0x1a2: {  	_ = 	snop;
	(pc) =	sbr.rel @!p1 .LBB2_13-.Ltmp6, $1  }
0x1a3: {  	_ =	sdelay $0x3  }
.LBB2_8:
0x1a4: {  	s12 =	sshll.u32 s11, $0x4  }
0x1a5: {  	s12 =	sor.u32 s1, s12  }
0x1a6: {  	p1 =	sgt.u32 s12, $0x7C  }
.Ltmp7:
0x1a7: {  	_ = 	snop;
	(pc) =	sbr.rel @p1 .LBB2_12-.Ltmp7, $1  }
0x1a8: {  	_ =	sdelay $0x3  }
0x1a9: {  	s13 =	smul.u32 $0xC800, s12;
	_ =	sdelay $0x1  }
0x1aa: {  	s13 =	sshra.s32 s13, $0x2  }
0x1ab: {  	s13 =	sadd.s32 s13, s3  }
0x1ac: {  	[tilespmem:s19], [sflag:$0x2] =	stream.linear.gather [spmem:s13], $0x3200, $0x38;
	[tilespmem:$0x1CE00] =	vst v63  }
0x1ad: {  	_ =	swait.ge [sflag:s9], $0x3200  }
0x1ae: {  	[sflag:s9] =	ssyncset.done $0x0  }
0x1af: {  	s13 =	simm.s32 $0x0;
	[sflag:s9] =	ssyncadd.s32 $0xFFFFCE00  }
0x1b0: {  	s14 =	simm.s32 $0x80;
	v2 =	vld [tilespmem:s13+$0x600]  }
.LBB2_10:
0x1b1: {  	p1 =	sne.s32 s14, $0xC780;
	v3 =	vld [tilespmem:s13+$0x610];
	_ =	sdelay $0x2  }
.Ltmp8:
0x1b2: {  	(pc) =	sbr.rel @p1 .LBB2_10-.Ltmp8, $4  }
0x1b3: {  	v2 =	vmul.f32 $5.000000000e-01, v2  }
0x1b4: {  	v3 =	vmul.f32 $5.000000000e-01, v3  }
0x1b5: {  	s15 =	sshra.s32 s14, $0x2;
	[tilespmem:s13+$0x600] =	vst v2  }
0x1b6: {  	s14 =	sadd.s32 $0x80, s14;
	v2 =	vld [tilespmem:s15+$0x600];
	[tilespmem:s13+$0x610] =	vst v3;
	s13 =	smov.u32 s15  }
0x1b7: {  	v3 =	vld [tilespmem:s13+$0x610];
	_ =	sdelay $0x2  }
0x1b8: {  	s12 =	smul.u32 $0x190, s12  }
0x1b9: {  	v2 =	vmul.f32 $5.000000000e-01, v2  }
0x1ba: {  	s12 =	sadd.s32 s6, s12;
	v3 =	vmul.f32 $5.000000000e-01, v3  }
0x1bb: {  	s12 =	sshll.u32 s12, $0x2;
	[tilespmem:s13+$0x600] =	vst v2  }
.Ltmp9:
0x1bc: {  	s12 =	sadd.s32 s5, s12;
	[tilespmem:s13+$0x610] =	vst v3;
	(pc) =	sbr.rel .LBB2_12-.Ltmp9, $4  }
0x1bd: {  	[hbm4b:s12+s4] =	stream.linear.scatter [tilespmem:s19], [sflag:$0x1], $0x3200, $0x38;
	[tilespmem:$0x1CE00] =	vst v63  }
0x1be: {  	_ =	swait.ge [sflag:s20], $0x3200  }
0x1bf: {  	[sflag:s20] =	ssyncset.done $0x0  }
0x1c0: {  	[sflag:s20] =	ssyncadd.s32 $0xFFFFCE00  }
.LBB2_14:
0x1c1: {  	_ =	sfence.sel $0x180000  }
0x1c2: {  	[bflag:$0x0] =	sbarrier.arrive $0xFFFF  }
0x1c3: {  	_ =	strace $0x90000047  }
0x1c4: {  	[bflag:$0x2] =	sbarrier.arrive $0xFFFF  }
0x1c5: {  	p0 =	sne.s32 s1, $0x0;
	s0 =	rddreg [dreg:$0x3]  }
0x1c6: {  	s0 =	sadd.s32 @!p0 $0x100000, s0  }
0x1c7: {  	[sflag:s0] =	ssyncadd.tile.s32 @!p0 $0x1;
	_ =	shalt  }
.Lfunc_end2:
_tile_overlayer_lowered:
.L_overlay_start_2:
0x1c8: {  	(tag) =	ssettag $0x2  }
0x1c9: {  	s0 =	rddreg [dreg:$0x0];
	s2 =	stileid.u32  }
0x1ca: {  	s1 =	rddreg [dreg:$0x1];
	p0 =	sne.s32 s2, $0x0  }
0x1cb: {  	s3 =	rddreg [dreg:$0x2];
	[bflag:$0x3] =	sbarrier.arrive $0xFFFF;
	s2 =	simm.s32 @!p0 $0x1C01  }
0x1cc: {  	[timem:s3], [sflag:s2] =	dma.local @!p0 [hbm:s0], s1  }
0x1cd: {  	s0 =	simm.s32 @!p0 $0x1  }
0x1ce: {  	_ =	swait.ge @!p0 [sflag:s0], s1  }
0x1cf: {  	s1 =	ssub.s32 @!p0 $0x0, s1;
	[sflag:s0] =	ssyncset.done @!p0 $0x0  }
0x1d0: {  	[sflag:s0] =	ssyncadd.s32 @!p0 s1  }
0x1d1: {  	[bflag:$0x3] =	sbarrier.arrive $0xFFFF  }
0x1d2: {  	_ =	shalt  }

// kernel: kernel.7.cloned.1.call-start
scs
__scs_entry_jumppad:
0x0: {  	(pc) =	sbr.rel $0x88, $3  }
0x1: {  	(tag) =	ssettag $0x0;
	lr =	simm.s32 $0x1  }
0x2: {  	[smem:$0x3F9E] =	sst lr;
	_ =	strace $0xD0000000  }
0x3: {  	_ = 	snop  }
0x4: {  	_ = 	snop  }
0x5: {  	_ = 	snop  }
0x6: {  	_ = 	snop  }
0x7: {  	_ = 	snop  }
__scs_overlays_trampoline_lowered:
0x8: {  	[smem:$0x3FAD] =	sst s0  }
0x9: {  	[smem:$0x3FAE] =	sst s1  }
0xa: {  	[smem:$0x3FAF] =	sst s2  }
0xb: {  	[smem:$0x3FB0] =	sst s3  }
0xc: {  	[smem:$0x3FB1] =	sst s4  }
0xd: {  	[smem:$0x3FB2] =	sst s5  }
0xe: {  	[smem:$0x3FB3] =	sst s6  }
0xf: {  	[smem:$0x3FB4] =	sst s7  }
0x10: {  	[smem:$0x3FB5] =	sst s8  }
0x11: {  	[smem:$0x3FB6] =	sst s9;
	s0 =	simm.s32 @!p0 $0x0  }
0x12: {  	s1 =	sld [smem:$0x3F9C];
	s0 =	simm.s32 @p0 $0x1  }
0x13: {  	[smem:$0x3FB7] =	sst s0;
	s0 =	simm.s32 @!p1 $0x0  }
0x14: {  	s2 =	sld [smem:$0x3F9B];
	s0 =	simm.s32 @p1 $0x1  }
0x15: {  	[smem:$0x3FB8] =	sst s0;
	s0 =	simm.s32 @!p2 $0x0  }
0x16: {  	s3 =	sld [smem:$0x3FDB];
	s0 =	simm.s32 @p2 $0x1  }
0x17: {  	s4 =	simm.s32 $0x1BF5;
	[smem:$0x3FBA] =	sst s0  }
0x18: {  	s0 =	sld [smem:$0x3F9D];
	_ =	swait.ge [sflag:s4], $0x0  }
0x19: {  	s7 =	sld [smem:$0x3F9E]  }
0x1a: {  	s8 =	sadd.s32 $0xFFFFE003, lr  }
0x1b: {  	s9 =	sadd.s32 $0xFFFFFEF7, lr;
	s5 =	simm.s32 $0xFFFFFFFF;
	p2 =	slt.u32 s8, $0xFFFFF086  }
0x1c: {  	p1 =	slt.u32 s9, $0xF7A;
	s5 =	simm.s32 @!p2 $0x0  }
0x1d: {  	s5 =	simm.s32 @p1 $0x1;
	p0 =	seq.s32 s7, s2  }
0x1e: {  	s7 =	smul.u32 @!p0 $0xF7A, s2;
	p2 =	seq.s32 @!p0 s5, $0x0  }
0x1f: {  	s9 =	smul.u32 $0xF7A, s1;
	s8 =	simm.s32 @!p0 $0x1BF5;
	p2 =	por !p2, p0  }
0x20: {  	[sflag:s8] =	ssyncset.s32 @!p0 $0xFFFFF086;
	s6 =	sadd.s32 @!p0 s3, s7;
	s7 =	simm.s32 @!p0 $0x108  }
0x21: {  	s3 =	sadd.s32 s3, s9;
	s6 =	sadd.s32 @!p0 $0x88, s6;
	s7 =	simm.s32 @p2 $0x1082  }
0x22: {  	[simem:s7], [sflag:s8] =	dma.local @!p0 [hbm:s6], $0xF7A  }
0x23: {  	s9 =	sor.u32 $0xD0000000, s2;
	s6 =	simm.s32 $0x108;
	_ =	swait.ge @!p0 [sflag:s8], $0x0  }
0x24: {  	s3 =	sadd.s32 $0x88, s3;
	s6 =	simm.s32 @!p1 $0x1082;
	[sflag:s4] =	ssyncset.s32 $0xFFFFF086  }
0x25: {  	[simem:s6], [sflag:s4] =	dma.local [hbm:s3], $0xF7A  }
0x26: {  	[smem:$0x3F9E] =	sst s1;
	(tag) =	ssettag s2;
	_ =	strace s9  }
0x27: {  	s1 =	sld [smem:$0x3FAE]  }
0x28: {  	s2 =	sld [smem:$0x3FAF]  }
0x29: {  	s4 =	sld [smem:$0x3FB1]  }
0x2a: {  	p0 =	seq.s32 s5, $0x0;
	s5 =	sld [smem:$0x3FB2]  }
0x2b: {  	s6 =	sld [smem:$0x3FB3]  }
0x2c: {  	s7 =	sld [smem:$0x3FB4]  }
0x2d: {  	s3 =	simm.s32 $0x108;
	s8 =	sld [smem:$0x3FB5]  }
0x2e: {  	s3 =	simm.s32 @!p0 $0x1082;
	s9 =	sld [smem:$0x3FB6]  }
0x2f: {  	lr =	sadd.s32 s0, s3;
	s0 =	sld [smem:$0x3FAD]  }
0x30: {  	s3 =	sld [smem:$0x3FB0]  }
0x31: {  	[smem:$0x3FB9] =	sst s10  }
0x32: {  	s10 =	sld [smem:$0x3FB7];
	_ =	sdelay $0x3  }
0x33: {  	p0 =	seq.s32 s10, $0x1;
	s10 =	sld [smem:$0x3FB9];
	_ =	sdelay $0x3  }
0x34: {  	[smem:$0x3FB9] =	sst s10  }
0x35: {  	s10 =	sld [smem:$0x3FB8];
	_ =	sdelay $0x3  }
0x36: {  	p1 =	seq.s32 s10, $0x1;
	s10 =	sld [smem:$0x3FB9];
	_ =	sdelay $0x3  }
0x37: {  	[smem:$0x3FB9] =	sst s10  }
0x38: {  	s10 =	sld [smem:$0x3FBA]  }
0x39: {  	_ = 	snop;
	(pc) =	sbr.ind lr, $3  }
0x3a: {  	_ = 	snop  }
0x3b: {  	_ = 	snop  }
0x3c: {  	p2 =	seq.s32 s10, $0x1;
	s10 =	sld [smem:$0x3FB9]  }
0x3d: {  	_ =	shalt  }
0x3e: {  	_ =	shalt  }
0x3f: {  	_ =	shalt  }
0x40: {  	_ =	shalt  }
0x41: {  	_ =	shalt  }
0x42: {  	_ =	shalt  }
0x43: {  	_ =	shalt  }
0x44: {  	_ =	shalt  }
0x45: {  	_ =	shalt  }
0x46: {  	_ =	shalt  }
0x47: {  	_ =	shalt  }
0x48: {  	_ =	shalt  }
0x49: {  	_ =	shalt  }
0x4a: {  	_ =	shalt  }
0x4b: {  	_ =	shalt  }
0x4c: {  	_ =	shalt  }
0x4d: {  	_ =	shalt  }
0x4e: {  	_ =	shalt  }
0x4f: {  	_ =	shalt  }
0x50: {  	_ =	shalt  }
0x51: {  	_ =	shalt  }
0x52: {  	_ =	shalt  }
0x53: {  	_ =	shalt  }
0x54: {  	_ =	shalt  }
0x55: {  	_ =	shalt  }
0x56: {  	_ =	shalt  }
0x57: {  	_ =	shalt  }
0x58: {  	_ =	shalt  }
0x59: {  	_ =	shalt  }
0x5a: {  	_ =	shalt  }
0x5b: {  	_ =	shalt  }
0x5c: {  	_ =	shalt  }
0x5d: {  	_ =	shalt  }
0x5e: {  	_ =	shalt  }
0x5f: {  	_ =	shalt  }
0x60: {  	_ =	shalt  }
0x61: {  	_ =	shalt  }
0x62: {  	_ =	shalt  }
0x63: {  	_ =	shalt  }
0x64: {  	_ =	shalt  }
0x65: {  	_ =	shalt  }
0x66: {  	_ =	shalt  }
0x67: {  	_ =	shalt  }
0x68: {  	_ =	shalt  }
0x69: {  	_ =	shalt  }
0x6a: {  	_ =	shalt  }
0x6b: {  	_ =	shalt  }
0x6c: {  	_ =	shalt  }
0x6d: {  	_ =	shalt  }
0x6e: {  	_ =	shalt  }
0x6f: {  	_ =	shalt  }
0x70: {  	_ =	shalt  }
0x71: {  	_ =	shalt  }
0x72: {  	_ =	shalt  }
0x73: {  	_ =	shalt  }
0x74: {  	_ =	shalt  }
0x75: {  	_ =	shalt  }
0x76: {  	_ =	shalt  }
0x77: {  	_ =	shalt  }
0x78: {  	_ =	shalt  }
0x79: {  	_ =	shalt  }
0x7a: {  	_ =	shalt  }
0x7b: {  	_ =	shalt  }
0x7c: {  	_ =	shalt  }
0x7d: {  	_ =	shalt  }
0x7e: {  	_ =	shalt  }
0x7f: {  	_ =	shalt  }
0x80: {  	_ =	shalt  }
0x81: {  	_ =	shalt  }
0x82: {  	_ =	shalt  }
0x83: {  	_ =	shalt  }
0x84: {  	_ =	shalt  }
0x85: {  	_ =	shalt  }
0x86: {  	_ =	shalt  }
0x87: {  	_ =	shalt  }
.Lfunc_end0:
.L_simem_size_0:
called_computation.1_lowered:
.L_overlay_start_0:
0x88: {  	s2 =	sld [smem:$0x3FD9]  }
0x89: {  	s3 =	sld [smem:$0x3FFE];
	_ =	sdelay $0x1  }
0x8a: {  	s1 =	srdreg.scid  }
0x8b: {  	s0 =	sand.u32 $0x1, s1  }
0x8c: {  	s17 =	sshll.u32 s0, $0xA;
	s2 =	sadd.s32 s3, s2  }
0x8d: {  	s2 =	sadd.s32 s2, s17  }
0x8e: {  	[smem:$0x3FC5] =	sst s2  }
0x8f: {  	_ = 	snop  }
0x90: {  	s2 =	sld [smem:$0x3FD0];
	(tm) =	ssettm $0x1  }
0x91: {  	s18 =	sld [smem:$0x3FFB];
	_ =	sdelay $0x3  }
0x92: {  	_ =	strace s18  }
0x93: {  	s3 =	sld [smem:$0x3FFC];
	_ =	sdelay $0x3  }
0x94: {  	_ =	strace s3  }
0x95: {  	s3 =	sld [smem:$0x3FFD];
	_ =	sdelay $0x3  }
0x96: {  	_ =	strace s3  }
0x97: {  	_ =	strace $0x8FFFFFFF  }
0x98: {  	s19 =	sld [smem:$0x3FDB];
	_ =	sdelay $0x1  }
0x99: {  	s4 =	simm.s32 $_scs_section_size  }
0x9a: {  	s5 =	simm.s32 $_size__tile_overlayer_lowered;
	s6 =	simm.s32 $_tile_overlayer_lowered  }
0x9b: {  	s22 =	simm.s32 $0x1BFF;
	s21 =	sshll.u32 s6, $0x1;
	s3 =	sadd.s32 s4, s19  }
0x9c: {  	s7 =	simm.s32 $0x0;
	s20 =	sshll.u32 s5, $0x1;
	s5 =	sadd.s32 s21, s3  }
0x9d: {  	[timem:s7], [sflag:s22] =	dma.local [hbm:s5], s20  }
0x9e: {  	_ =	swait.ge [sflag:s22], s20  }
0x9f: {  	s4 =	ssub.s32 $0x0, s20;
	[sflag:s22] =	ssyncset.done $0x0  }
0xa0: {  	[sflag:s22] =	ssyncadd.s32 s4;
	_ =	sdelay $0x1  }
0xa1: {  	s23 =	simm.s32 $0x1B8B  }
0xa2: {  	_ =	swait.ge [sflag:s23], $0x1  }
0xa3: {  	[sflag:s23] =	ssyncset.done $0x0  }
0xa4: {  	s25 =	simm.s32 $0x1B8E;
	s24 =	sld [smem:$0x3FFE];
	[sflag:s23] =	ssyncadd.s32 $0xFFFFFFFF  }
0xa5: {  	s26 =	simm.s32 $execute0_lowered;
	[smem:$0x3FD2] =	sst s25  }
0xa6: {  	s5 =	sshll.u32 s26, $0x1;
	_ =	strace $0x80000049;
	[dreg:$0x1] =	wrdreg $0xFFFFFFFF  }
0xa7: {  	s28 =	simm.s32 $_size_execute0_lowered;
	s3 =	sadd.s32 s3, s5;
	[dreg:$0x0] =	wrdreg $0x0  }
0xa8: {  	s5 =	sshll.u32 s28, $0x1;
	[dreg:$0x2] =	wrdreg s3  }
0xa9: {  	[dreg:$0x3] =	wrdreg s5  }
0xaa: {  	[dreg:$0x4] =	wrdreg $0xC0  }
0xab: {  	_ =	task [dreg:s7], $0x5FFFF  }
0xac: {  	[dreg:$0x1] =	wrdreg $0xFFFFFFFF  }
0xad: {  	[dreg:$0x0] =	wrdreg $0x60  }
0xae: {  	[dreg:$0x2] =	wrdreg s24  }
0xaf: {  	[dreg:$0x3] =	wrdreg s2  }
0xb0: {  	[dreg:$0x4] =	wrdreg $0x46000  }
0xb1: {  	[dreg:$0x5] =	wrdreg $0x9  }
0xb2: {  	_ =	task.clear_ibuf [dreg:s7], $0x6FFFF;
	_ =	strace $0x90000049  }
0xb3: {  	s29 =	simm.s32 $0x9;
	_ =	strace $0x8000004B  }
0xb4: {  	_ =	swait.ge [sflag:s29], $0x1  }
0xb5: {  	[sflag:s29] =	ssyncadd.s32 $0xFFFFFFFF  }
0xb6: {  	_ =	strace $0x9000004B  }
0xb7: {  	_ =	sfence  }
0xb8: {  	s30 =	sld [smem:$0x0];
	_ =	sdelay $0x2  }
0xb9: {  	s31 =	sshll.u32 s1, $0xD;
	s1 =	sshrl.u32 s1, $0x2  }
0xba: {  	s3 =	sand.u32 $0x4000, s31;
	s1 =	sadd.s32 s1, s30  }
0xbb: {  	s0 =	sor.u32 s3, s0;
	s1 =	sshll.u32 s1, $0x11  }
0xbc: {  	s0 =	sor.u32 s1, s0  }
0xbd: {  	s0 =	sadd.s32 $0x8F2B, s0  }
0xbe: {  	[sflag:s0] =	ssyncadd.remote.s32 $0x1  }
0xbf: {  	_ =	sfence.sel $0xFFFF  }
0xc0: {  	[dreg:$0x0] =	wrdreg $0xFFFFFFFF;
	(pc) =	sbr.abs _section_cstart, $3  }
0xc1: {  	[dreg:$0x1] =	wrdreg $0xFFFFFFFF  }
0xc2: {  	_ =	task.clear_ibuf [dreg:s7], $0x2FFFF;
	_ =	strace $0x9FFFFFFF  }
0xc3: {  	(tm) =	ssettm $0x7FFFFFFF  }
tec
execute0_lowered:
.L_overlay_start_1:
0x0: {  	(tag) =	ssettag $0x1  }
0x1: {  	s0 =	rddreg [dreg:$0x0]  }
0x2: {  	s2 =	rddreg [dreg:$0x1]  }
0x3: {  	s3 =	rddreg [dreg:$0x2];
	s4 =	simm.s32 $0x0;
	s1 =	stileid.u32  }
0x4: {  	s5 =	srdreg.scid;
	s18 =	simm.s32 $0x600;
	s19 =	simm.s32 $0x1  }
0x5: {  	s28 =	simm.s32 $0x2600;
	s29 =	simm.s32 $0x500;
	s30 =	simm.s32 $0x380  }
0x6: {  	s31 =	simm.s32 $0x3600;
	s7 =	sand.u32 $0x1, s5;
	s6 =	smul.u32 $0x62000, s1  }
0x7: {  	[smem:$0x7FF] =	sst s4;
	s8 =	smul.u32 $0x3200, s1;
	s9 =	ssub.s32 $0x2, s7  }
0x8: {  	s5 =	sadd.s32 $0x65800, s0;
	_ =	strace $0x8000004A;
	s10 =	sshrl.u32 s9, $0x1  }
0x9: {  	s7 =	smul.u32 $0xC350, s7;
	s6 =	sshrl.u32 s6, $0x2;
	s20 =	ssub.s32 s9, s10  }
0xa: {  	s0 =	sadd.s32 s8, s0;
	s6 =	sadd.s32 s6, s3;
	s8 =	smax.u32 s20, $0x1  }
0xb: {  	s16 =	sadd.s32 $0x33800, s0;
	s21 =	sadd.s32 $0x3100, s6;
	[dreg:$0x4] =	wrdreg s8  }
0xc: {  	s17 =	sadd.s32 $0x1800, s0;
	s22 =	sadd.s32 $0x6200, s6;
	[dreg:$0x5] =	wrdreg s21  }
0xd: {  	s0 =	simm.s32 $0x580;
	s23 =	sadd.s32 $0x9300, s6;
	[dreg:$0x6] =	wrdreg s22  }
0xe: {  	s9 =	simm.s32 $0x0;
	s24 =	sadd.s32 $0xC400, s6;
	[dreg:$0x7] =	wrdreg s23  }
.Ltmp0:
0xf: {  	s25 =	sadd.s32 $0xF500, s6;
	[dreg:$0x8] =	wrdreg s24;
	(pc) =	sbr.rel .LBB2_1-.Ltmp0, $4  }
0x10: {  	s26 =	sadd.s32 $0x12600, s6;
	s15 =	sadd.s32 $0x15700, s6;
	[dreg:$0x9] =	wrdreg s25  }
0x11: {  	s20 =	simm.s32 $0x200;
	[dreg:$0xa] =	wrdreg s26;
	s21 =	simm.s32 $0x80  }
0x12: {  	s22 =	simm.s32 $0x400;
	s23 =	simm.s32 $0x280;
	s24 =	simm.s32 $0x1600  }
0x13: {  	v1 =	vimm.f32 $0.0e+00;
	v0 =	vmov s7;
	s25 =	simm.s32 $0x480;
	s26 =	simm.s32 $0x300;
	s8 =	simm.s32 $0x2  }
.LBB2_13:
0x14: {  	s9 =	sadd.s32 $0x1, s9;
	s10 =	rddreg [dreg:$0x4]  }
0x15: {  	p0 =	sne.s32 s9, s10  }
.Ltmp1:
0x16: {  	_ = 	snop;
	(pc) =	sbr.rel @!p0 .LBB2_14-.Ltmp1, $1  }
0x17: {  	_ =	sdelay $0x3  }
.LBB2_1:
0x18: {  	s10 =	simm.s32 $0x80;
	s11 =	simm.s32 $0x0  }
.LBB2_2:
0x19: {  	p0 =	sne.s32 s10, $0xFF80;
	[tilespmem:s11+$0x600] =	vst v1;
	s12 =	smov.u32 s10;
	s10 =	sadd.s32 $0x80, s10  }
.Ltmp2:
0x1a: {  	[tilespmem:s11+$0x610] =	vst v1;
	(pc) =	sbr.rel @p0 .LBB2_2-.Ltmp2, $2  }
0x1b: {  	_ =	sdelay $0x2  }
0x1c: {  	s11 =	sshra.s32 s12, $0x2  }
0x1d: {  	[tilespmem:s11+$0x600] =	vst v1  }
0x1e: {  	[tilespmem:s11+$0x610] =	vst v1  }
0x1f: {  	[spmem:s6] =	stream.linear.scatter [tilespmem:s18], [sflag:$0x1], $0x3100, $0x38;
	[tilespmem:$0x1CE00] =	vst v63  }
0x20: {  	_ =	swait.ge [sflag:s19], $0x3100  }
0x21: {  	[sflag:s19] =	ssyncset.done $0x0  }
0x22: {  	s10 =	rddreg [dreg:$0x5];
	[sflag:s19] =	ssyncadd.s32 $0xFFFFCF00  }
0x23: {  	[spmem:s10] =	stream.linear.scatter [tilespmem:s18], [sflag:$0x1], $0x3100, $0x38;
	[tilespmem:$0x1CE00] =	vst v63  }
0x24: {  	_ =	swait.ge [sflag:s19], $0x3100  }
0x25: {  	[sflag:s19] =	ssyncset.done $0x0  }
0x26: {  	s14 =	rddreg [dreg:$0x6];
	[sflag:s19] =	ssyncadd.s32 $0xFFFFCF00  }
0x27: {  	[spmem:s14] =	stream.linear.scatter [tilespmem:s18], [sflag:$0x1], $0x3100, $0x38;
	[tilespmem:$0x1CE00] =	vst v63  }
0x28: {  	_ =	swait.ge [sflag:s19], $0x3100  }
0x29: {  	[sflag:s19] =	ssyncset.done $0x0  }
0x2a: {  	s11 =	rddreg [dreg:$0x7];
	[sflag:s19] =	ssyncadd.s32 $0xFFFFCF00  }
0x2b: {  	[spmem:s11] =	stream.linear.scatter [tilespmem:s18], [sflag:$0x1], $0x3100, $0x38;
	[tilespmem:$0x1CE00] =	vst v63  }
0x2c: {  	_ =	swait.ge [sflag:s19], $0x3100  }
0x2d: {  	[sflag:s19] =	ssyncset.done $0x0  }
0x2e: {  	s12 =	rddreg [dreg:$0x8];
	[sflag:s19] =	ssyncadd.s32 $0xFFFFCF00  }
0x2f: {  	[spmem:s12] =	stream.linear.scatter [tilespmem:s18], [sflag:$0x1], $0x3100, $0x38;
	[tilespmem:$0x1CE00] =	vst v63  }
0x30: {  	_ =	swait.ge [sflag:s19], $0x3100  }
0x31: {  	[sflag:s19] =	ssyncset.done $0x0  }
0x32: {  	s13 =	rddreg [dreg:$0x9];
	[sflag:s19] =	ssyncadd.s32 $0xFFFFCF00  }
0x33: {  	[spmem:s13] =	stream.linear.scatter [tilespmem:s18], [sflag:$0x1], $0x3100, $0x38;
	[tilespmem:$0x1CE00] =	vst v63  }
0x34: {  	_ =	swait.ge [sflag:s19], $0x3100  }
0x35: {  	[sflag:s19] =	ssyncset.done $0x0  }
0x36: {  	s14 =	rddreg [dreg:$0xa];
	[sflag:s19] =	ssyncadd.s32 $0xFFFFCF00  }
0x37: {  	[spmem:s14] =	stream.linear.scatter [tilespmem:s18], [sflag:$0x1], $0x3100, $0x38;
	[tilespmem:$0x1CE00] =	vst v63  }
0x38: {  	_ =	swait.ge [sflag:s19], $0x3100  }
0x39: {  	[sflag:s19] =	ssyncset.done $0x0  }
0x3a: {  	[sflag:s19] =	ssyncadd.s32 $0xFFFFCF00  }
0x3b: {  	[spmem:s15] =	stream.linear.scatter [tilespmem:s18], [sflag:$0x1], $0x3100, $0x38;
	[tilespmem:$0x1CE00] =	vst v63  }
0x3c: {  	_ =	swait.ge [sflag:s19], $0x3100  }
0x3d: {  	[sflag:s19] =	ssyncset.done $0x0  }
0x3e: {  	[sflag:s19] =	ssyncadd.s32 $0xFFFFCF00  }
0x3f: {  	s10 =	sadd.s32 $0x0, s17;
	s11 =	simm.s32 $0x0;
	[bflag:$0x0] =	sbarrier.arrive $0xFFFF  }
0x40: {  	[tilespmem:s11], [sflag:$0x1] =	stream.linear.gather [hbm4b:s10+s11], $0x200, $0x38;
	[tilespmem:$0x1CE00] =	vst v63  }
0x41: {  	_ =	swait.ge [sflag:s19], $0x200  }
0x42: {  	[sflag:s19] =	ssyncset.done $0x0  }
0x43: {  	s12 =	simm.s32 $0x40;
	s13 =	sadd.s32 $0x0, s16;
	[sflag:s19] =	ssyncadd.s32 $0xFFFFFE00  }
.LBB2_4:
0x44: {  	[tilespmem:s20], [sflag:$0x1] =	stream.linear.gather [hbm4b:s13+s11], $0x200, $0x38;
	[tilespmem:$0x1CE00] =	vst v63  }
0x45: {  	s13 =	smov.u32 s12  }
0x46: {  	p0 =	sne.s32 s12, $0x31C0;
	s12 =	sadd.s32 $0x40, s12;
	_ =	swait.ge [sflag:s19], $0x200  }
0x47: {  	[sflag:s19] =	ssyncset.done $0x0  }
0x48: {  	[sflag:s19] =	ssyncadd.s32 $0xFFFFFE00  }
0x49: {  	v2 =	vld [tilespmem:$0xB0]  }
0x4a: {  	v3 =	vld [tilespmem:$0x0]  }
0x4b: {  	v4 =	vld [tilespmem:$0x30]  }
0x4c: {  	v5 =	vld [tilespmem:$0xC0]  }
0x4d: {  	v6 =	vld [tilespmem:$0xD0]  }
0x4e: {  	v7 =	vld [tilespmem:$0xE0]  }
0x4f: {  	v3 =	vsub.s32 v3, v0;
	v8 =	vld [tilespmem:$0xF0]  }
0x50: {  	v2 =	vsub.s32 v2, v0;
	v3 =	vmin.u32 v3, $0xC350;
	v4 =	vsub.s32 v4, v0;
	v9 =	vld [tilespmem:$0x100]  }
0x51: {  	v2 =	vmin.u32 v2, $0xC350;
	[tilespmem:$0x400] =	vst v3;
	v3 =	vmin.u32 v4, $0xC350;
	v4 =	vsub.s32 v5, v0;
	v5 =	vld [tilespmem:$0x110]  }
0x52: {  	[tilespmem:$0x4B0] =	vst v2;
	v2 =	vmin.u32 v4, $0xC350;
	v4 =	vsub.s32 v6, v0;
	v6 =	vld [tilespmem:$0x1E0]  }
0x53: {  	v10 =	vld [tilespmem:$0x20];
	[tilespmem:$0x430] =	vst v3;
	v3 =	vmin.u32 v4, $0xC350;
	v4 =	vsub.s32 v7, v0  }
0x54: {  	[tilespmem:$0x4D0] =	vst v3;
	v3 =	vmin.u32 v4, $0xC350;
	v4 =	vsub.s32 v8, v0;
	v7 =	vld [tilespmem:$0x120]  }
0x55: {  	[tilespmem:$0x4C0] =	vst v2;
	v2 =	vmin.u32 v4, $0xC350;
	v4 =	vsub.s32 v9, v0;
	v8 =	vld [tilespmem:$0x150]  }
0x56: {  	[tilespmem:$0x4F0] =	vst v2;
	v2 =	vmin.u32 v4, $0xC350;
	v4 =	vsub.s32 v5, v0;
	v5 =	vld [tilespmem:$0x160]  }
0x57: {  	v4 =	vmin.u32 v4, $0xC350;
	v9 =	vld [tilespmem:$0x130];
	v6 =	vsub.s32 v6, v0  }
0x58: {  	v10 =	vsub.s32 v10, v0;
	[tilespmem:$0x510] =	vst v4;
	v4 =	vld [tilespmem:$0x170];
	v6 =	vmin.u32 v6, $0xC350  }
0x59: {  	v10 =	vmin.u32 v10, $0xC350;
	[tilespmem:$0x500] =	vst v2;
	v2 =	vsub.s32 v7, v0;
	v7 =	vld [tilespmem:$0x180]  }
0x5a: {  	[tilespmem:$0x420] =	vst v10;
	v2 =	vmin.u32 v2, $0xC350;
	v10 =	vld [tilespmem:$0x140];
	v8 =	vsub.s32 v8, v0  }
0x5b: {  	[tilespmem:$0x4E0] =	vst v3;
	v3 =	vmin.u32 v8, $0xC350;
	v5 =	vsub.s32 v5, v0;
	v8 =	vld [tilespmem:$0x190]  }
0x5c: {  	v9 =	vsub.s32 v9, v0;
	[tilespmem:$0x550] =	vst v3;
	v3 =	vmin.u32 v5, $0xC350;
	v5 =	vld [tilespmem:$0x1C0]  }
0x5d: {  	v9 =	vmin.u32 v9, $0xC350;
	v4 =	vsub.s32 v4, v0;
	v11 =	vld [tilespmem:$0x1D0];
	[tilespmem:$0x5E0] =	vst v6  }
0x5e: {  	[tilespmem:$0x530] =	vst v9;
	v4 =	vmin.u32 v4, $0xC350;
	v6 =	vsub.s32 v7, v0;
	v7 =	vld [tilespmem:$0x1B0]  }
0x5f: {  	v9 =	vsub.s32 v10, v0;
	[tilespmem:$0x560] =	vst v3;
	v3 =	vmin.u32 v6, $0xC350;
	v6 =	vld [tilespmem:$0x1A0]  }
0x60: {  	v10 =	vld [tilespmem:$0x50];
	v9 =	vmin.u32 v9, $0xC350;
	[tilespmem:$0x580] =	vst v3;
	v3 =	vsub.s32 v8, v0  }
0x61: {  	v8 =	vld [tilespmem:$0x40];
	[tilespmem:$0x540] =	vst v9;
	v3 =	vmin.u32 v3, $0xC350;
	v5 =	vsub.s32 v5, v0  }
0x62: {  	v9 =	vld [tilespmem:$0x80];
	[tilespmem:$0x590] =	vst v3;
	v3 =	vmin.u32 v5, $0xC350;
	v5 =	vsub.s32 v11, v0  }
0x63: {  	v7 =	vsub.s32 v7, v0;
	[tilespmem:$0x5C0] =	vst v3;
	v3 =	vmin.u32 v5, $0xC350;
	v5 =	vld [tilespmem:$0x1F0]  }
0x64: {  	v11 =	vld [tilespmem:$0x60];
	[tilespmem:$0x570] =	vst v4;
	v4 =	vsub.s32 v6, v0;
	v6 =	vmin.u32 v7, $0xC350  }
0x65: {  	v7 =	vld [tilespmem:$0x10];
	v10 =	vsub.s32 v10, v0;
	v4 =	vmin.u32 v4, $0xC350;
	[tilespmem:$0x5B0] =	vst v6  }
0x66: {  	v6 =	vsub.s32 v8, v0;
	v8 =	vmin.u32 v10, $0xC350;
	v10 =	vld [tilespmem:$0x70];
	[tilespmem:$0x520] =	vst v2  }
0x67: {  	v2 =	vmin.u32 v6, $0xC350;
	v6 =	vsub.s32 v9, v0;
	v9 =	vld [tilespmem:$0x90];
	[tilespmem:$0x5D0] =	vst v3  }
0x68: {  	[tilespmem:$0x440] =	vst v2;
	v2 =	vmin.u32 v6, $0xC350;
	v3 =	vld [tilespmem:$0xA0];
	v5 =	vsub.s32 v5, v0  }
0x69: {  	v6 =	vsub.s32 v11, v0;
	[tilespmem:$0x480] =	vst v2;
	v2 =	vmin.u32 v5, $0xC350  }
0x6a: {  	v5 =	vsub.s32 v7, v0;
	v6 =	vmin.u32 v6, $0xC350;
	[tilespmem:$0x5F0] =	vst v2  }
0x6b: {  	v2 =	vmin.u32 v5, $0xC350;
	[tilespmem:$0x460] =	vst v6;
	v5 =	vsub.s32 v10, v0  }
0x6c: {  	[tilespmem:$0x410] =	vst v2;
	v2 =	vmin.u32 v5, $0xC350;
	v5 =	vsub.s32 v9, v0  }
0x6d: {  	[tilespmem:$0x450] =	vst v8;
	v5 =	vmin.u32 v5, $0xC350;
	v3 =	vsub.s32 v3, v0  }
0x6e: {  	[tilespmem:$0x490] =	vst v5;
	v3 =	vmin.u32 v3, $0xC350  }
0x6f: {  	[tilespmem:$0x4A0] =	vst v3  }
0x70: {  	[tilespmem:$0x470] =	vst v2  }
0x71: {  	[tilespmem:$0x5A0] =	vst v4  }
0x72: {  	[tilespmem:s18], [sflag:$0x1] =	stream.indirect.gather [hbm4b:s5+s21], $0x20, s20, s21, $0xb8;
	[tilespmem:$0x1CE00] =	vst v63  }
0x73: {  	_ =	swait.ge [sflag:s19], $0x1000  }
0x74: {  	[sflag:s19] =	ssyncset.done $0x0  }
0x75: {  	[sflag:s19] =	ssyncadd.s32 $0xFFFFF000  }
0x76: {  	[spmem:s3] =	stream.indirect.scatter.add.f32 [tilespmem:s18], [sflag:$0x1], $0x20, s22, s21, $0xb8;
	[tilespmem:$0x1CE00] =	vst v63  }
0x77: {  	_ =	swait.ge [sflag:s19], $0x1000  }
0x78: {  	[sflag:s19] =	ssyncset.done $0x0  }
0x79: {  	[sflag:s19] =	ssyncadd.s32 $0xFFFFF000  }
0x7a: {  	[tilespmem:s24], [sflag:$0x1] =	stream.indirect.gather [hbm4b:s5+s21], $0x20, s23, s21, $0xb8;
	[tilespmem:$0x1CE00] =	vst v63  }
0x7b: {  	_ =	swait.ge [sflag:s19], $0x1000  }
0x7c: {  	[sflag:s19] =	ssyncset.done $0x0  }
0x7d: {  	[sflag:s19] =	ssyncadd.s32 $0xFFFFF000  }
0x7e: {  	[spmem:s3] =	stream.indirect.scatter.add.f32 [tilespmem:s24], [sflag:$0x1], $0x20, s25, s21, $0xb8;
	[tilespmem:$0x1CE00] =	vst v63  }
0x7f: {  	_ =	swait.ge [sflag:s19], $0x1000  }
0x80: {  	[sflag:s19] =	ssyncset.done $0x0  }
0x81: {  	[sflag:s19] =	ssyncadd.s32 $0xFFFFF000  }
0x82: {  	[tilespmem:s28], [sflag:$0x1] =	stream.indirect.gather [hbm4b:s5+s21], $0x20, s26, s21, $0xb8;
	[tilespmem:$0x1CE00] =	vst v63  }
0x83: {  	_ =	swait.ge [sflag:s19], $0x1000  }
0x84: {  	[sflag:s19] =	ssyncset.done $0x0  }
0x85: {  	[sflag:s19] =	ssyncadd.s32 $0xFFFFF000  }
0x86: {  	[spmem:s3] =	stream.indirect.scatter.add.f32 [tilespmem:s28], [sflag:$0x1], $0x20, s29, s21, $0xb8;
	[tilespmem:$0x1CE00] =	vst v63  }
0x87: {  	_ =	swait.ge [sflag:s19], $0x1000  }
0x88: {  	[sflag:s19] =	ssyncset.done $0x0  }
0x89: {  	[sflag:s19] =	ssyncadd.s32 $0xFFFFF000  }
0x8a: {  	[tilespmem:s31], [sflag:$0x1] =	stream.indirect.gather [hbm4b:s5+s21], $0x20, s30, s21, $0xb8;
	[tilespmem:$0x1CE00] =	vst v63  }
0x8b: {  	_ =	swait.ge [sflag:s19], $0x1000  }
0x8c: {  	[sflag:s19] =	ssyncset.done $0x0  }
0x8d: {  	[sflag:s19] =	ssyncadd.s32 $0xFFFFF000  }
0x8e: {  	[spmem:s3] =	stream.indirect.scatter.add.f32 [tilespmem:s31], [sflag:$0x1], $0x20, s0, s21, $0xb8;
	[tilespmem:$0x1CE00] =	vst v63  }
0x8f: {  	_ =	swait.ge [sflag:s19], $0x1000  }
0x90: {  	[sflag:s19] =	ssyncset.done $0x0  }
.Ltmp3:
0x91: {  	s14 =	sadd.s32 s13, s17;
	[sflag:s19] =	ssyncadd.s32 $0xFFFFF000;
	(pc) =	sbr.rel @p0 .LBB2_4-.Ltmp3, $4  }
0x92: {  	[tilespmem:s11], [sflag:$0x1] =	stream.linear.gather [hbm4b:s14+s11], $0x200, $0x38;
	[tilespmem:$0x1CE00] =	vst v63  }
0x93: {  	_ =	swait.ge [sflag:s19], $0x200  }
0x94: {  	[sflag:s19] =	ssyncset.done $0x0  }
0x95: {  	s13 =	sadd.s32 s13, s16;
	[sflag:s19] =	ssyncadd.s32 $0xFFFFFE00  }
0x96: {  	[tilespmem:s20], [sflag:$0x1] =	stream.linear.gather [hbm4b:s13+s11], $0x200, $0x38;
	[tilespmem:$0x1CE00] =	vst v63  }
0x97: {  	_ =	swait.ge [sflag:s19], $0x200  }
0x98: {  	[sflag:s19] =	ssyncset.done $0x0  }
0x99: {  	[sflag:s19] =	ssyncadd.s32 $0xFFFFFE00  }
0x9a: {  	v2 =	vld [tilespmem:$0x0]  }
0x9b: {  	v3 =	vld [tilespmem:$0xB0]  }
0x9c: {  	v9 =	vld [tilespmem:$0x100]  }
0x9d: {  	v37 =	vld [tilespmem:$0x160]  }
0x9e: {  	v44 =	vld [tilespmem:$0x120]  }
0x9f: {  	v4 =	vld [tilespmem:$0x30]  }
0xa0: {  	v5 =	vld [tilespmem:$0xD0]  }
0xa1: {  	v6 =	vld [tilespmem:$0xC0];
	v2 =	vsub.s32 v2, v0  }
0xa2: {  	v7 =	vld [tilespmem:$0xF0];
	v36 =	vsub.s32 v9, v0;
	v9 =	vsub.s32 v37, v0;
	v2 =	vmin.u32 v2, $0xC350  }
0xa3: {  	v8 =	vld [tilespmem:$0x110];
	v50 =	vsub.s32 v44, v0;
	v42 =	vmin.u32 v9, $0xC350;
	[tilespmem:$0x400] =	vst v2  }
0xa4: {  	v48 =	vld [tilespmem:$0x80];
	v3 =	vsub.s32 v3, v0;
	v52 =	vmin.u32 v50, $0xC350;
	[tilespmem:$0x560] =	vst v42  }
0xa5: {  	v4 =	vsub.s32 v4, v0;
	v2 =	vmin.u32 v3, $0xC350;
	[tilespmem:$0x520] =	vst v52  }
0xa6: {  	v60 =	vld [tilespmem:$0x70];
	v3 =	vmin.u32 v4, $0xC350;
	[tilespmem:$0x4B0] =	vst v2;
	v2 =	vsub.s32 v5, v0  }
0xa7: {  	v33 =	vld [tilespmem:$0xE0];
	v6 =	vsub.s32 v6, v0;
	[tilespmem:$0x430] =	vst v3;
	v2 =	vmin.u32 v2, $0xC350  }
0xa8: {  	v34 =	vld [tilespmem:$0x150];
	v3 =	vmin.u32 v6, $0xC350;
	[tilespmem:$0x4D0] =	vst v2;
	v2 =	vsub.s32 v7, v0  }
0xa9: {  	v51 =	vld [tilespmem:$0x60];
	v56 =	vsub.s32 v48, v0;
	[tilespmem:$0x4C0] =	vst v3;
	v3 =	vsub.s32 v8, v0;
	v2 =	vmin.u32 v2, $0xC350  }
0xaa: {  	v58 =	vmin.u32 v56, $0xC350;
	[tilespmem:$0x4F0] =	vst v2;
	v2 =	vmin.u32 v3, $0xC350;
	v3 =	vld [tilespmem:$0x130]  }
0xab: {  	v32 =	vld [tilespmem:$0x20];
	v62 =	vsub.s32 v60, v0;
	[tilespmem:$0x480] =	vst v58  }
0xac: {  	v38 =	vld [tilespmem:$0x180];
	v63 =	vmin.u32 v62, $0xC350;
	[tilespmem:$0x510] =	vst v2;
	v2 =	vsub.s32 v33, v0  }
0xad: {  	v45 =	vld [tilespmem:$0x1D0];
	[tilespmem:$0x470] =	vst v63;
	v6 =	vsub.s32 v34, v0;
	v2 =	vmin.u32 v2, $0xC350  }
0xae: {  	v40 =	vld [tilespmem:$0x190];
	v9 =	vsub.s32 v51, v0;
	[tilespmem:$0x4E0] =	vst v2;
	v2 =	vmin.u32 v6, $0xC350  }
0xaf: {  	v9 =	vmin.u32 v9, $0xC350;
	[tilespmem:$0x550] =	vst v2;
	v2 =	vld [tilespmem:$0x1C0];
	v3 =	vsub.s32 v3, v0  }
0xb0: {  	v41 =	vld [tilespmem:$0x170];
	v4 =	vsub.s32 v32, v0;
	[tilespmem:$0x460] =	vst v9;
	v3 =	vmin.u32 v3, $0xC350  }
0xb1: {  	v43 =	vld [tilespmem:$0x1B0];
	v4 =	vmin.u32 v4, $0xC350;
	[tilespmem:$0x530] =	vst v3;
	v3 =	vsub.s32 v38, v0  }
0xb2: {  	v53 =	vsub.s32 v45, v0;
	[tilespmem:$0x420] =	vst v4;
	v3 =	vmin.u32 v3, $0xC350  }
0xb3: {  	v39 =	vld [tilespmem:$0x140];
	v5 =	vmin.u32 v53, $0xC350;
	[tilespmem:$0x580] =	vst v3;
	v3 =	vsub.s32 v40, v0  }
0xb4: {  	v35 =	vld [tilespmem:$0x1E0];
	[tilespmem:$0x5D0] =	vst v5;
	v2 =	vsub.s32 v2, v0;
	v3 =	vmin.u32 v3, $0xC350  }
0xb5: {  	v46 =	vld [tilespmem:$0x40];
	v47 =	vsub.s32 v41, v0;
	v2 =	vmin.u32 v2, $0xC350;
	[tilespmem:$0x590] =	vst v3  }
0xb6: {  	v49 =	vsub.s32 v43, v0;
	v3 =	vmin.u32 v47, $0xC350;
	[tilespmem:$0x5C0] =	vst v2;
	v2 =	vld [tilespmem:$0x1F0]  }
0xb7: {  	v54 =	vld [tilespmem:$0x10];
	[tilespmem:$0x570] =	vst v3;
	v3 =	vmin.u32 v49, $0xC350  }
0xb8: {  	v8 =	vmin.u32 v36, $0xC350;
	v4 =	vsub.s32 v39, v0;
	[tilespmem:$0x5B0] =	vst v3;
	v3 =	vld [tilespmem:$0x50]  }
0xb9: {  	v57 =	vld [tilespmem:$0x90];
	[tilespmem:$0x500] =	vst v8;
	v7 =	vsub.s32 v35, v0;
	v4 =	vmin.u32 v4, $0xC350  }
0xba: {  	v59 =	vld [tilespmem:$0xA0];
	v7 =	vmin.u32 v7, $0xC350;
	[tilespmem:$0x540] =	vst v4;
	v6 =	vsub.s32 v46, v0  }
0xbb: {  	v61 =	vld [tilespmem:$0x1A0];
	[tilespmem:$0x5E0] =	vst v7;
	v55 =	vmin.u32 v6, $0xC350;
	v2 =	vsub.s32 v2, v0  }
0xbc: {  	v7 =	vsub.s32 v54, v0;
	[tilespmem:$0x440] =	vst v55;
	v2 =	vmin.u32 v2, $0xC350  }
0xbd: {  	[tilespmem:$0x5F0] =	vst v2;
	v2 =	vsub.s32 v3, v0;
	v3 =	vmin.u32 v7, $0xC350  }
0xbe: {  	v2 =	vmin.u32 v2, $0xC350;
	[tilespmem:$0x410] =	vst v3;
	v3 =	vsub.s32 v57, v0  }
0xbf: {  	[tilespmem:$0x450] =	vst v2;
	v2 =	vmin.u32 v3, $0xC350;
	v3 =	vsub.s32 v59, v0  }
0xc0: {  	[tilespmem:$0x490] =	vst v2;
	v2 =	vmin.u32 v3, $0xC350;
	v3 =	vsub.s32 v61, v0  }
0xc1: {  	[tilespmem:$0x4A0] =	vst v2;
	v2 =	vmin.u32 v3, $0xC350  }
0xc2: {  	[tilespmem:$0x5A0] =	vst v2  }
0xc3: {  	[tilespmem:s18], [sflag:$0x1] =	stream.indirect.gather [hbm4b:s5+s21], $0x20, s20, s21, $0xb8;
	[tilespmem:$0x1CE00] =	vst v63  }
0xc4: {  	_ =	swait.ge [sflag:s19], $0x1000  }
0xc5: {  	[sflag:s19] =	ssyncset.done $0x0  }
0xc6: {  	[sflag:s19] =	ssyncadd.s32 $0xFFFFF000  }
0xc7: {  	[spmem:s3] =	stream.indirect.scatter.add.f32 [tilespmem:s18], [sflag:$0x1], $0x20, s22, s21, $0xb8;
	[tilespmem:$0x1CE00] =	vst v63  }
0xc8: {  	_ =	swait.ge [sflag:s19], $0x1000  }
0xc9: {  	[sflag:s19] =	ssyncset.done $0x0  }
0xca: {  	[sflag:s19] =	ssyncadd.s32 $0xFFFFF000  }
0xcb: {  	[tilespmem:s24], [sflag:$0x1] =	stream.indirect.gather [hbm4b:s5+s21], $0x20, s23, s21, $0xb8;
	[tilespmem:$0x1CE00] =	vst v63  }
0xcc: {  	_ =	swait.ge [sflag:s19], $0x1000  }
0xcd: {  	[sflag:s19] =	ssyncset.done $0x0  }
0xce: {  	[sflag:s19] =	ssyncadd.s32 $0xFFFFF000  }
0xcf: {  	[spmem:s3] =	stream.indirect.scatter.add.f32 [tilespmem:s24], [sflag:$0x1], $0x20, s25, s21, $0xb8;
	[tilespmem:$0x1CE00] =	vst v63  }
0xd0: {  	_ =	swait.ge [sflag:s19], $0x1000  }
0xd1: {  	[sflag:s19] =	ssyncset.done $0x0  }
0xd2: {  	[sflag:s19] =	ssyncadd.s32 $0xFFFFF000  }
0xd3: {  	[tilespmem:s28], [sflag:$0x1] =	stream.indirect.gather [hbm4b:s5+s21], $0x20, s26, s21, $0xb8;
	[tilespmem:$0x1CE00] =	vst v63  }
0xd4: {  	_ =	swait.ge [sflag:s19], $0x1000  }
0xd5: {  	[sflag:s19] =	ssyncset.done $0x0  }
0xd6: {  	[sflag:s19] =	ssyncadd.s32 $0xFFFFF000  }
0xd7: {  	[spmem:s3] =	stream.indirect.scatter.add.f32 [tilespmem:s28], [sflag:$0x1], $0x20, s29, s21, $0xb8;
	[tilespmem:$0x1CE00] =	vst v63  }
0xd8: {  	_ =	swait.ge [sflag:s19], $0x1000  }
0xd9: {  	[sflag:s19] =	ssyncset.done $0x0  }
0xda: {  	[sflag:s19] =	ssyncadd.s32 $0xFFFFF000  }
0xdb: {  	[tilespmem:s31], [sflag:$0x1] =	stream.indirect.gather [hbm4b:s5+s21], $0x20, s30, s21, $0xb8;
	[tilespmem:$0x1CE00] =	vst v63  }
0xdc: {  	_ =	swait.ge [sflag:s19], $0x1000  }
0xdd: {  	[sflag:s19] =	ssyncset.done $0x0  }
0xde: {  	[sflag:s19] =	ssyncadd.s32 $0xFFFFF000  }
0xdf: {  	[spmem:s3] =	stream.indirect.scatter.add.f32 [tilespmem:s31], [sflag:$0x1], $0x20, s0, s21, $0xb8;
	[tilespmem:$0x1CE00] =	vst v63  }
0xe0: {  	_ =	swait.ge [sflag:s19], $0x1000  }
0xe1: {  	[sflag:s19] =	ssyncset.done $0x0  }
0xe2: {  	s14 =	sadd.s32 $0x0, s16;
	[sflag:s19] =	ssyncadd.s32 $0xFFFFF000  }
0xe3: {  	[tilespmem:s4], [sflag:$0x1] =	stream.linear.gather [hbm4b:s14+s4], $0x200, $0x38;
	[tilespmem:$0x1CE00] =	vst v63  }
0xe4: {  	_ =	swait.ge [sflag:s19], $0x200  }
0xe5: {  	[sflag:s19] =	ssyncset.done $0x0  }
0xe6: {  	s11 =	simm.s32 $0x40;
	[sflag:s19] =	ssyncadd.s32 $0xFFFFFE00  }
.LBB2_6:
0xe7: {  	[tilespmem:s20], [sflag:$0x1] =	stream.linear.gather [hbm4b:s10+s4], $0x200, $0x38;
	[tilespmem:$0x1CE00] =	vst v63  }
0xe8: {  	s10 =	smov.u32 s11  }
0xe9: {  	p0 =	sne.s32 s11, $0x31C0;
	s11 =	sadd.s32 $0x40, s11;
	_ =	swait.ge [sflag:s19], $0x200  }
0xea: {  	[sflag:s19] =	ssyncset.done $0x0  }
0xeb: {  	[sflag:s19] =	ssyncadd.s32 $0xFFFFFE00  }
0xec: {  	v2 =	vld [tilespmem:$0xB0]  }
0xed: {  	v3 =	vld [tilespmem:$0x0]  }
0xee: {  	v4 =	vld [tilespmem:$0x30]  }
0xef: {  	v5 =	vld [tilespmem:$0xC0]  }
0xf0: {  	v6 =	vld [tilespmem:$0xD0]  }
0xf1: {  	v7 =	vld [tilespmem:$0xE0]  }
0xf2: {  	v3 =	vsub.s32 v3, v0;
	v8 =	vld [tilespmem:$0xF0]  }
0xf3: {  	v2 =	vsub.s32 v2, v0;
	v3 =	vmin.u32 v3, $0xC350;
	v4 =	vsub.s32 v4, v0;
	v9 =	vld [tilespmem:$0x100]  }
0xf4: {  	v2 =	vmin.u32 v2, $0xC350;
	[tilespmem:$0x400] =	vst v3;
	v3 =	vmin.u32 v4, $0xC350;
	v4 =	vsub.s32 v5, v0;
	v5 =	vld [tilespmem:$0x110]  }
0xf5: {  	[tilespmem:$0x4B0] =	vst v2;
	v2 =	vmin.u32 v4, $0xC350;
	v4 =	vsub.s32 v6, v0;
	v6 =	vld [tilespmem:$0x1E0]  }
0xf6: {  	v10 =	vld [tilespmem:$0x20];
	[tilespmem:$0x430] =	vst v3;
	v3 =	vmin.u32 v4, $0xC350;
	v4 =	vsub.s32 v7, v0  }
0xf7: {  	[tilespmem:$0x4D0] =	vst v3;
	v3 =	vmin.u32 v4, $0xC350;
	v4 =	vsub.s32 v8, v0;
	v7 =	vld [tilespmem:$0x120]  }
0xf8: {  	[tilespmem:$0x4C0] =	vst v2;
	v2 =	vmin.u32 v4, $0xC350;
	v4 =	vsub.s32 v9, v0;
	v8 =	vld [tilespmem:$0x150]  }
0xf9: {  	[tilespmem:$0x4F0] =	vst v2;
	v2 =	vmin.u32 v4, $0xC350;
	v4 =	vsub.s32 v5, v0;
	v5 =	vld [tilespmem:$0x160]  }
0xfa: {  	v4 =	vmin.u32 v4, $0xC350;
	v9 =	vld [tilespmem:$0x130];
	v6 =	vsub.s32 v6, v0  }
0xfb: {  	v10 =	vsub.s32 v10, v0;
	[tilespmem:$0x510] =	vst v4;
	v4 =	vld [tilespmem:$0x170];
	v6 =	vmin.u32 v6, $0xC350  }
0xfc: {  	v10 =	vmin.u32 v10, $0xC350;
	[tilespmem:$0x500] =	vst v2;
	v2 =	vsub.s32 v7, v0;
	v7 =	vld [tilespmem:$0x180]  }
0xfd: {  	[tilespmem:$0x420] =	vst v10;
	v2 =	vmin.u32 v2, $0xC350;
	v10 =	vld [tilespmem:$0x140];
	v8 =	vsub.s32 v8, v0  }
0xfe: {  	[tilespmem:$0x4E0] =	vst v3;
	v3 =	vmin.u32 v8, $0xC350;
	v5 =	vsub.s32 v5, v0;
	v8 =	vld [tilespmem:$0x190]  }
0xff: {  	v9 =	vsub.s32 v9, v0;
	[tilespmem:$0x550] =	vst v3;
	v3 =	vmin.u32 v5, $0xC350;
	v5 =	vld [tilespmem:$0x1C0]  }
0x100: {  	v9 =	vmin.u32 v9, $0xC350;
	v4 =	vsub.s32 v4, v0;
	v11 =	vld [tilespmem:$0x1D0];
	[tilespmem:$0x5E0] =	vst v6  }
0x101: {  	[tilespmem:$0x530] =	vst v9;
	v4 =	vmin.u32 v4, $0xC350;
	v6 =	vsub.s32 v7, v0;
	v7 =	vld [tilespmem:$0x1B0]  }
0x102: {  	v9 =	vsub.s32 v10, v0;
	[tilespmem:$0x560] =	vst v3;
	v3 =	vmin.u32 v6, $0xC350;
	v6 =	vld [tilespmem:$0x1A0]  }
0x103: {  	v10 =	vld [tilespmem:$0x50];
	v9 =	vmin.u32 v9, $0xC350;
	[tilespmem:$0x580] =	vst v3;
	v3 =	vsub.s32 v8, v0  }
0x104: {  	v8 =	vld [tilespmem:$0x40];
	[tilespmem:$0x540] =	vst v9;
	v3 =	vmin.u32 v3, $0xC350;
	v5 =	vsub.s32 v5, v0  }
0x105: {  	v9 =	vld [tilespmem:$0x80];
	[tilespmem:$0x590] =	vst v3;
	v3 =	vmin.u32 v5, $0xC350;
	v5 =	vsub.s32 v11, v0  }
0x106: {  	v7 =	vsub.s32 v7, v0;
	[tilespmem:$0x5C0] =	vst v3;
	v3 =	vmin.u32 v5, $0xC350;
	v5 =	vld [tilespmem:$0x1F0]  }
0x107: {  	v11 =	vld [tilespmem:$0x60];
	[tilespmem:$0x570] =	vst v4;
	v4 =	vsub.s32 v6, v0;
	v6 =	vmin.u32 v7, $0xC350  }
0x108: {  	v7 =	vld [tilespmem:$0x10];
	v10 =	vsub.s32 v10, v0;
	v4 =	vmin.u32 v4, $0xC350;
	[tilespmem:$0x5B0] =	vst v6  }
0x109: {  	v6 =	vsub.s32 v8, v0;
	v8 =	vmin.u32 v10, $0xC350;
	v10 =	vld [tilespmem:$0x70];
	[tilespmem:$0x520] =	vst v2  }
0x10a: {  	v2 =	vmin.u32 v6, $0xC350;
	v6 =	vsub.s32 v9, v0;
	v9 =	vld [tilespmem:$0x90];
	[tilespmem:$0x5D0] =	vst v3  }
0x10b: {  	[tilespmem:$0x440] =	vst v2;
	v2 =	vmin.u32 v6, $0xC350;
	v3 =	vld [tilespmem:$0xA0];
	v5 =	vsub.s32 v5, v0  }
0x10c: {  	v6 =	vsub.s32 v11, v0;
	[tilespmem:$0x480] =	vst v2;
	v2 =	vmin.u32 v5, $0xC350  }
0x10d: {  	v5 =	vsub.s32 v7, v0;
	v6 =	vmin.u32 v6, $0xC350;
	[tilespmem:$0x5F0] =	vst v2  }
0x10e: {  	v2 =	vmin.u32 v5, $0xC350;
	[tilespmem:$0x460] =	vst v6;
	v5 =	vsub.s32 v10, v0  }
0x10f: {  	[tilespmem:$0x410] =	vst v2;
	v2 =	vmin.u32 v5, $0xC350;
	v5 =	vsub.s32 v9, v0  }
0x110: {  	[tilespmem:$0x450] =	vst v8;
	v5 =	vmin.u32 v5, $0xC350;
	v3 =	vsub.s32 v3, v0  }
0x111: {  	[tilespmem:$0x490] =	vst v5;
	v3 =	vmin.u32 v3, $0xC350  }
0x112: {  	[tilespmem:$0x4A0] =	vst v3  }
0x113: {  	[tilespmem:$0x470] =	vst v2  }
0x114: {  	[tilespmem:$0x5A0] =	vst v4  }
0x115: {  	[tilespmem:s18], [sflag:$0x1] =	stream.indirect.gather [hbm4b:s5+s21], $0x20, s20, s21, $0xb8;
	[tilespmem:$0x1CE00] =	vst v63  }
0x116: {  	_ =	swait.ge [sflag:s19], $0x1000  }
0x117: {  	[sflag:s19] =	ssyncset.done $0x0  }
0x118: {  	[sflag:s19] =	ssyncadd.s32 $0xFFFFF000  }
0x119: {  	[spmem:s3] =	stream.indirect.scatter.add.f32 [tilespmem:s18], [sflag:$0x1], $0x20, s22, s21, $0xb8;
	[tilespmem:$0x1CE00] =	vst v63  }
0x11a: {  	_ =	swait.ge [sflag:s19], $0x1000  }
0x11b: {  	[sflag:s19] =	ssyncset.done $0x0  }
0x11c: {  	[sflag:s19] =	ssyncadd.s32 $0xFFFFF000  }
0x11d: {  	[tilespmem:s24], [sflag:$0x1] =	stream.indirect.gather [hbm4b:s5+s21], $0x20, s23, s21, $0xb8;
	[tilespmem:$0x1CE00] =	vst v63  }
0x11e: {  	_ =	swait.ge [sflag:s19], $0x1000  }
0x11f: {  	[sflag:s19] =	ssyncset.done $0x0  }
0x120: {  	[sflag:s19] =	ssyncadd.s32 $0xFFFFF000  }
0x121: {  	[spmem:s3] =	stream.indirect.scatter.add.f32 [tilespmem:s24], [sflag:$0x1], $0x20, s25, s21, $0xb8;
	[tilespmem:$0x1CE00] =	vst v63  }
0x122: {  	_ =	swait.ge [sflag:s19], $0x1000  }
0x123: {  	[sflag:s19] =	ssyncset.done $0x0  }
0x124: {  	[sflag:s19] =	ssyncadd.s32 $0xFFFFF000  }
0x125: {  	[tilespmem:s28], [sflag:$0x1] =	stream.indirect.gather [hbm4b:s5+s21], $0x20, s26, s21, $0xb8;
	[tilespmem:$0x1CE00] =	vst v63  }
0x126: {  	_ =	swait.ge [sflag:s19], $0x1000  }
0x127: {  	[sflag:s19] =	ssyncset.done $0x0  }
0x128: {  	[sflag:s19] =	ssyncadd.s32 $0xFFFFF000  }
0x129: {  	[spmem:s3] =	stream.indirect.scatter.add.f32 [tilespmem:s28], [sflag:$0x1], $0x20, s29, s21, $0xb8;
	[tilespmem:$0x1CE00] =	vst v63  }
0x12a: {  	_ =	swait.ge [sflag:s19], $0x1000  }
0x12b: {  	[sflag:s19] =	ssyncset.done $0x0  }
0x12c: {  	[sflag:s19] =	ssyncadd.s32 $0xFFFFF000  }
0x12d: {  	[tilespmem:s31], [sflag:$0x1] =	stream.indirect.gather [hbm4b:s5+s21], $0x20, s30, s21, $0xb8;
	[tilespmem:$0x1CE00] =	vst v63  }
0x12e: {  	_ =	swait.ge [sflag:s19], $0x1000  }
0x12f: {  	[sflag:s19] =	ssyncset.done $0x0  }
0x130: {  	[sflag:s19] =	ssyncadd.s32 $0xFFFFF000  }
0x131: {  	[spmem:s3] =	stream.indirect.scatter.add.f32 [tilespmem:s31], [sflag:$0x1], $0x20, s0, s21, $0xb8;
	[tilespmem:$0x1CE00] =	vst v63  }
0x132: {  	_ =	swait.ge [sflag:s19], $0x1000  }
0x133: {  	[sflag:s19] =	ssyncset.done $0x0  }
.Ltmp4:
0x134: {  	s12 =	sadd.s32 s10, s16;
	[sflag:s19] =	ssyncadd.s32 $0xFFFFF000;
	(pc) =	sbr.rel @p0 .LBB2_6-.Ltmp4, $4  }
0x135: {  	[tilespmem:s4], [sflag:$0x1] =	stream.linear.gather [hbm4b:s12+s4], $0x200, $0x38;
	[tilespmem:$0x1CE00] =	vst v63  }
0x136: {  	_ =	swait.ge [sflag:s19], $0x200  }
0x137: {  	[sflag:s19] =	ssyncset.done $0x0  }
0x138: {  	s10 =	sadd.s32 s10, s17;
	[sflag:s19] =	ssyncadd.s32 $0xFFFFFE00  }
0x139: {  	[tilespmem:s20], [sflag:$0x1] =	stream.linear.gather [hbm4b:s10+s4], $0x200, $0x38;
	[tilespmem:$0x1CE00] =	vst v63  }
0x13a: {  	_ =	swait.ge [sflag:s19], $0x200  }
0x13b: {  	[sflag:s19] =	ssyncset.done $0x0  }
0x13c: {  	[sflag:s19] =	ssyncadd.s32 $0xFFFFFE00  }
0x13d: {  	v2 =	vld [tilespmem:$0x0]  }
0x13e: {  	v3 =	vld [tilespmem:$0xB0]  }
0x13f: {  	v9 =	vld [tilespmem:$0x100]  }
0x140: {  	v37 =	vld [tilespmem:$0x160]  }
0x141: {  	v44 =	vld [tilespmem:$0x120]  }
0x142: {  	v4 =	vld [tilespmem:$0x30]  }
0x143: {  	v5 =	vld [tilespmem:$0xD0]  }
0x144: {  	v6 =	vld [tilespmem:$0xC0];
	v2 =	vsub.s32 v2, v0  }
0x145: {  	v7 =	vld [tilespmem:$0xF0];
	v36 =	vsub.s32 v9, v0;
	v9 =	vsub.s32 v37, v0;
	v2 =	vmin.u32 v2, $0xC350  }
0x146: {  	v8 =	vld [tilespmem:$0x110];
	v50 =	vsub.s32 v44, v0;
	v42 =	vmin.u32 v9, $0xC350;
	[tilespmem:$0x400] =	vst v2  }
0x147: {  	v48 =	vld [tilespmem:$0x80];
	v3 =	vsub.s32 v3, v0;
	v52 =	vmin.u32 v50, $0xC350;
	[tilespmem:$0x560] =	vst v42  }
0x148: {  	v4 =	vsub.s32 v4, v0;
	v2 =	vmin.u32 v3, $0xC350;
	[tilespmem:$0x520] =	vst v52  }
0x149: {  	v60 =	vld [tilespmem:$0x70];
	v3 =	vmin.u32 v4, $0xC350;
	[tilespmem:$0x4B0] =	vst v2;
	v2 =	vsub.s32 v5, v0  }
0x14a: {  	v33 =	vld [tilespmem:$0xE0];
	v6 =	vsub.s32 v6, v0;
	[tilespmem:$0x430] =	vst v3;
	v2 =	vmin.u32 v2, $0xC350  }
0x14b: {  	v34 =	vld [tilespmem:$0x150];
	v3 =	vmin.u32 v6, $0xC350;
	[tilespmem:$0x4D0] =	vst v2;
	v2 =	vsub.s32 v7, v0  }
0x14c: {  	v51 =	vld [tilespmem:$0x60];
	v56 =	vsub.s32 v48, v0;
	[tilespmem:$0x4C0] =	vst v3;
	v3 =	vsub.s32 v8, v0;
	v2 =	vmin.u32 v2, $0xC350  }
0x14d: {  	v58 =	vmin.u32 v56, $0xC350;
	[tilespmem:$0x4F0] =	vst v2;
	v2 =	vmin.u32 v3, $0xC350;
	v3 =	vld [tilespmem:$0x130]  }
0x14e: {  	v32 =	vld [tilespmem:$0x20];
	v62 =	vsub.s32 v60, v0;
	[tilespmem:$0x480] =	vst v58  }
0x14f: {  	v38 =	vld [tilespmem:$0x180];
	v63 =	vmin.u32 v62, $0xC350;
	[tilespmem:$0x510] =	vst v2;
	v2 =	vsub.s32 v33, v0  }
0x150: {  	v45 =	vld [tilespmem:$0x1D0];
	[tilespmem:$0x470] =	vst v63;
	v6 =	vsub.s32 v34, v0;
	v2 =	vmin.u32 v2, $0xC350  }
0x151: {  	v40 =	vld [tilespmem:$0x190];
	v9 =	vsub.s32 v51, v0;
	[tilespmem:$0x4E0] =	vst v2;
	v2 =	vmin.u32 v6, $0xC350  }
0x152: {  	v9 =	vmin.u32 v9, $0xC350;
	[tilespmem:$0x550] =	vst v2;
	v2 =	vld [tilespmem:$0x1C0];
	v3 =	vsub.s32 v3, v0  }
0x153: {  	v41 =	vld [tilespmem:$0x170];
	v4 =	vsub.s32 v32, v0;
	[tilespmem:$0x460] =	vst v9;
	v3 =	vmin.u32 v3, $0xC350  }
0x154: {  	v43 =	vld [tilespmem:$0x1B0];
	v4 =	vmin.u32 v4, $0xC350;
	[tilespmem:$0x530] =	vst v3;
	v3 =	vsub.s32 v38, v0  }
0x155: {  	v53 =	vsub.s32 v45, v0;
	[tilespmem:$0x420] =	vst v4;
	v3 =	vmin.u32 v3, $0xC350  }
0x156: {  	v39 =	vld [tilespmem:$0x140];
	v5 =	vmin.u32 v53, $0xC350;
	[tilespmem:$0x580] =	vst v3;
	v3 =	vsub.s32 v40, v0  }
0x157: {  	v35 =	vld [tilespmem:$0x1E0];
	[tilespmem:$0x5D0] =	vst v5;
	v2 =	vsub.s32 v2, v0;
	v3 =	vmin.u32 v3, $0xC350  }
0x158: {  	v46 =	vld [tilespmem:$0x40];
	v47 =	vsub.s32 v41, v0;
	v2 =	vmin.u32 v2, $0xC350;
	[tilespmem:$0x590] =	vst v3  }
0x159: {  	v49 =	vsub.s32 v43, v0;
	v3 =	vmin.u32 v47, $0xC350;
	[tilespmem:$0x5C0] =	vst v2;
	v2 =	vld [tilespmem:$0x1F0]  }
0x15a: {  	v54 =	vld [tilespmem:$0x10];
	[tilespmem:$0x570] =	vst v3;
	v3 =	vmin.u32 v49, $0xC350  }
0x15b: {  	v8 =	vmin.u32 v36, $0xC350;
	v4 =	vsub.s32 v39, v0;
	[tilespmem:$0x5B0] =	vst v3;
	v3 =	vld [tilespmem:$0x50]  }
0x15c: {  	v57 =	vld [tilespmem:$0x90];
	[tilespmem:$0x500] =	vst v8;
	v7 =	vsub.s32 v35, v0;
	v4 =	vmin.u32 v4, $0xC350  }
0x15d: {  	v59 =	vld [tilespmem:$0xA0];
	v7 =	vmin.u32 v7, $0xC350;
	[tilespmem:$0x540] =	vst v4;
	v6 =	vsub.s32 v46, v0  }
0x15e: {  	v61 =	vld [tilespmem:$0x1A0];
	[tilespmem:$0x5E0] =	vst v7;
	v55 =	vmin.u32 v6, $0xC350;
	v2 =	vsub.s32 v2, v0  }
0x15f: {  	v7 =	vsub.s32 v54, v0;
	[tilespmem:$0x440] =	vst v55;
	v2 =	vmin.u32 v2, $0xC350  }
0x160: {  	[tilespmem:$0x5F0] =	vst v2;
	v2 =	vsub.s32 v3, v0;
	v3 =	vmin.u32 v7, $0xC350  }
0x161: {  	v2 =	vmin.u32 v2, $0xC350;
	[tilespmem:$0x410] =	vst v3;
	v3 =	vsub.s32 v57, v0  }
0x162: {  	[tilespmem:$0x450] =	vst v2;
	v2 =	vmin.u32 v3, $0xC350;
	v3 =	vsub.s32 v59, v0  }
0x163: {  	[tilespmem:$0x490] =	vst v2;
	v2 =	vmin.u32 v3, $0xC350;
	v3 =	vsub.s32 v61, v0  }
0x164: {  	[tilespmem:$0x4A0] =	vst v2;
	v2 =	vmin.u32 v3, $0xC350  }
0x165: {  	[tilespmem:$0x5A0] =	vst v2  }
0x166: {  	[tilespmem:s18], [sflag:$0x1] =	stream.indirect.gather [hbm4b:s5+s21], $0x20, s20, s21, $0xb8;
	[tilespmem:$0x1CE00] =	vst v63  }
0x167: {  	_ =	swait.ge [sflag:s19], $0x1000  }
0x168: {  	[sflag:s19] =	ssyncset.done $0x0  }
0x169: {  	[sflag:s19] =	ssyncadd.s32 $0xFFFFF000  }
0x16a: {  	[spmem:s3] =	stream.indirect.scatter.add.f32 [tilespmem:s18], [sflag:$0x1], $0x20, s22, s21, $0xb8;
	[tilespmem:$0x1CE00] =	vst v63  }
0x16b: {  	_ =	swait.ge [sflag:s19], $0x1000  }
0x16c: {  	[sflag:s19] =	ssyncset.done $0x0  }
0x16d: {  	[sflag:s19] =	ssyncadd.s32 $0xFFFFF000  }
0x16e: {  	[tilespmem:s24], [sflag:$0x1] =	stream.indirect.gather [hbm4b:s5+s21], $0x20, s23, s21, $0xb8;
	[tilespmem:$0x1CE00] =	vst v63  }
0x16f: {  	_ =	swait.ge [sflag:s19], $0x1000  }
0x170: {  	[sflag:s19] =	ssyncset.done $0x0  }
0x171: {  	[sflag:s19] =	ssyncadd.s32 $0xFFFFF000  }
0x172: {  	[spmem:s3] =	stream.indirect.scatter.add.f32 [tilespmem:s24], [sflag:$0x1], $0x20, s25, s21, $0xb8;
	[tilespmem:$0x1CE00] =	vst v63  }
0x173: {  	_ =	swait.ge [sflag:s19], $0x1000  }
0x174: {  	[sflag:s19] =	ssyncset.done $0x0  }
0x175: {  	[sflag:s19] =	ssyncadd.s32 $0xFFFFF000  }
0x176: {  	[tilespmem:s28], [sflag:$0x1] =	stream.indirect.gather [hbm4b:s5+s21], $0x20, s26, s21, $0xb8;
	[tilespmem:$0x1CE00] =	vst v63  }
0x177: {  	_ =	swait.ge [sflag:s19], $0x1000  }
0x178: {  	[sflag:s19] =	ssyncset.done $0x0  }
0x179: {  	[sflag:s19] =	ssyncadd.s32 $0xFFFFF000  }
0x17a: {  	[spmem:s3] =	stream.indirect.scatter.add.f32 [tilespmem:s28], [sflag:$0x1], $0x20, s29, s21, $0xb8;
	[tilespmem:$0x1CE00] =	vst v63  }
0x17b: {  	_ =	swait.ge [sflag:s19], $0x1000  }
0x17c: {  	[sflag:s19] =	ssyncset.done $0x0  }
0x17d: {  	[sflag:s19] =	ssyncadd.s32 $0xFFFFF000  }
0x17e: {  	[tilespmem:s31], [sflag:$0x1] =	stream.indirect.gather [hbm4b:s5+s21], $0x20, s30, s21, $0xb8;
	[tilespmem:$0x1CE00] =	vst v63  }
0x17f: {  	_ =	swait.ge [sflag:s19], $0x1000  }
0x180: {  	[sflag:s19] =	ssyncset.done $0x0  }
0x181: {  	[sflag:s19] =	ssyncadd.s32 $0xFFFFF000  }
0x182: {  	[spmem:s3] =	stream.indirect.scatter.add.f32 [tilespmem:s31], [sflag:$0x1], $0x20, s0, s21, $0xb8;
	[tilespmem:$0x1CE00] =	vst v63  }
.Ltmp5:
0x183: {  	_ =	swait.ge [sflag:s19], $0x1000;
	(pc) =	sbr.rel .LBB2_8-.Ltmp5, $4  }
0x184: {  	[sflag:s19] =	ssyncset.done $0x0  }
0x185: {  	[sflag:s19] =	ssyncadd.s32 $0xFFFFF000  }
0x186: {  	[bflag:$0x0] =	sbarrier.arrive $0xFFFF  }
0x187: {  	s10 =	simm.s32 $0x0  }
.LBB2_12:
0x188: {  	s10 =	sadd.s32 $0x1, s10  }
0x189: {  	p0 =	sne.s32 s10, $0x8  }
.Ltmp6:
0x18a: {  	_ = 	snop;
	(pc) =	sbr.rel @!p0 .LBB2_13-.Ltmp6, $1  }
0x18b: {  	_ =	sdelay $0x3  }
.LBB2_8:
0x18c: {  	s11 =	sshll.u32 s10, $0x4  }
0x18d: {  	s11 =	sor.u32 s1, s11  }
0x18e: {  	p0 =	sgt.u32 s11, $0x7C  }
.Ltmp7:
0x18f: {  	_ = 	snop;
	(pc) =	sbr.rel @p0 .LBB2_12-.Ltmp7, $1  }
0x190: {  	_ =	sdelay $0x3  }
0x191: {  	s12 =	smul.u32 $0xC800, s11;
	_ =	sdelay $0x1  }
0x192: {  	s12 =	sshra.s32 s12, $0x2  }
0x193: {  	s12 =	sadd.s32 s12, s3  }
0x194: {  	[tilespmem:s18], [sflag:$0x2] =	stream.linear.gather [spmem:s12], $0x3200, $0x38;
	[tilespmem:$0x1CE00] =	vst v63  }
0x195: {  	_ =	swait.ge [sflag:s8], $0x3200  }
0x196: {  	[sflag:s8] =	ssyncset.done $0x0  }
0x197: {  	s12 =	simm.s32 $0x0;
	[sflag:s8] =	ssyncadd.s32 $0xFFFFCE00  }
0x198: {  	s13 =	simm.s32 $0x80;
	v2 =	vld [tilespmem:s12+$0x600]  }
.LBB2_10:
0x199: {  	p0 =	sne.s32 s13, $0xC780;
	v3 =	vld [tilespmem:s12+$0x610];
	_ =	sdelay $0x2  }
.Ltmp8:
0x19a: {  	(pc) =	sbr.rel @p0 .LBB2_10-.Ltmp8, $4  }
0x19b: {  	v2 =	vmul.f32 $5.000000000e-01, v2  }
0x19c: {  	v3 =	vmul.f32 $5.000000000e-01, v3  }
0x19d: {  	s14 =	sshra.s32 s13, $0x2;
	[tilespmem:s12+$0x600] =	vst v2  }
0x19e: {  	s13 =	sadd.s32 $0x80, s13;
	v2 =	vld [tilespmem:s14+$0x600];
	[tilespmem:s12+$0x610] =	vst v3;
	s12 =	smov.u32 s14  }
0x19f: {  	v3 =	vld [tilespmem:s12+$0x610];
	_ =	sdelay $0x2  }
0x1a0: {  	s11 =	smul.u32 $0x190, s11  }
0x1a1: {  	v2 =	vmul.f32 $5.000000000e-01, v2  }
0x1a2: {  	s11 =	sadd.s32 s7, s11;
	v3 =	vmul.f32 $5.000000000e-01, v3  }
0x1a3: {  	s11 =	sshll.u32 s11, $0x2;
	[tilespmem:s12+$0x600] =	vst v2  }
.Ltmp9:
0x1a4: {  	s11 =	sadd.s32 s2, s11;
	[tilespmem:s12+$0x610] =	vst v3;
	(pc) =	sbr.rel .LBB2_12-.Ltmp9, $4  }
0x1a5: {  	[hbm4b:s11+s4] =	stream.linear.scatter [tilespmem:s18], [sflag:$0x1], $0x3200, $0x38;
	[tilespmem:$0x1CE00] =	vst v63  }
0x1a6: {  	_ =	swait.ge [sflag:s19], $0x3200  }
0x1a7: {  	[sflag:s19] =	ssyncset.done $0x0  }
0x1a8: {  	[sflag:s19] =	ssyncadd.s32 $0xFFFFCE00  }
.LBB2_14:
0x1a9: {  	_ =	sfence.sel $0x180000  }
0x1aa: {  	[bflag:$0x0] =	sbarrier.arrive $0xFFFF  }
0x1ab: {  	_ =	strace $0x9000004A  }
0x1ac: {  	[bflag:$0x2] =	sbarrier.arrive $0xFFFF  }
0x1ad: {  	p0 =	sne.s32 s1, $0x0;
	s0 =	rddreg [dreg:$0x3]  }
0x1ae: {  	s0 =	sadd.s32 @!p0 $0x100000, s0  }
0x1af: {  	[sflag:s0] =	ssyncadd.tile.s32 @!p0 $0x1;
	_ =	shalt  }
.Lfunc_end2:
_tile_overlayer_lowered:
.L_overlay_start_2:
0x1b0: {  	(tag) =	ssettag $0x2  }
0x1b1: {  	s0 =	rddreg [dreg:$0x0];
	s2 =	stileid.u32  }
0x1b2: {  	s1 =	rddreg [dreg:$0x1];
	p0 =	sne.s32 s2, $0x0  }
0x1b3: {  	s3 =	rddreg [dreg:$0x2];
	[bflag:$0x3] =	sbarrier.arrive $0xFFFF;
	s2 =	simm.s32 @!p0 $0x1C01  }
0x1b4: {  	[timem:s3], [sflag:s2] =	dma.local @!p0 [hbm:s0], s1  }
0x1b5: {  	s0 =	simm.s32 @!p0 $0x1  }
0x1b6: {  	_ =	swait.ge @!p0 [sflag:s0], s1  }
0x1b7: {  	s1 =	ssub.s32 @!p0 $0x0, s1;
	[sflag:s0] =	ssyncset.done @!p0 $0x0  }
0x1b8: {  	[sflag:s0] =	ssyncadd.s32 @!p0 s1  }
0x1b9: {  	[bflag:$0x3] =	sbarrier.arrive $0xFFFF  }
0x1ba: {  	_ =	shalt  }

</sc_bundles>
